<compile_context>
chip_gen: v7x
topology: tpu7x:2x2x1
jax: 0.10.2.dev20260603
libtpu: 0.0.44.dev20260713+nightly
codegen_flags: <defaults>
</compile_context>

<pallas_src>
import functools

import jax
import jax.numpy as jnp
from jax import lax
from jax.experimental import pallas as pl
from jax.experimental.pallas import tpu as pltpu
from jax.experimental.pallas import tpu_sc as plsc

_B = 16384
_EMB = 16
_HID = 32
_NCTX = 8
_NC = 2
_NS = 16
_NW = _NC * _NS
_BPW = _B // _NW
_CH = 256
_NCHUNK = _BPW // _CH
_L = 16


def _sc_gather(table, idx):
    mesh = plsc.VectorSubcoreMesh(core_axis_name="c", subcore_axis_name="s")

    @functools.partial(
        pl.kernel,
        mesh=mesh,
        compiler_params=pltpu.CompilerParams(needs_layout_passes=False),
        out_type=jax.ShapeDtypeStruct((_B, 128), jnp.float32),
        scratch_types=[
            pltpu.VMEM((_BPW,), jnp.int32),
            [pltpu.VMEM((_CH,), jnp.int32) for _ in range(_NCHUNK)],
            [pltpu.VMEM((_CH, 128), jnp.float32) for _ in range(_NCHUNK)],
            [pltpu.SemaphoreType.DMA for _ in range(_NCHUNK)],
        ],
    )
    def k(t_h, idx_h, g_h, idxv, rows, big, sems):
        wid = lax.axis_index("s") * _NC + lax.axis_index("c")
        base = wid * _BPW

        pltpu.sync_copy(idx_h.at[pl.ds(base, _BPW)], idxv)
        for c in range(_NCHUNK):
            def rowoff(g, _, c=c):
                p = c * _CH + g * _L
                rows[c][pl.ds(g * _L, _L)] = idxv[pl.ds(p, _L)] >> 3
                return _
            lax.fori_loop(0, _CH // _L, rowoff, None)

        cps = [pltpu.async_copy(t_h.at[rows[c]], big[c], sems[c])
               for c in range(_NCHUNK)]
        for c in range(_NCHUNK):
            cps[c].wait()
            pltpu.sync_copy(big[c], g_h.at[pl.ds(base + c * _CH, _CH)])

    return k(table, idx)


_TB = 2048


def _mlp_body(ug_ref, ig_ref, us_ref, it_ref, cx_ref,
              w1u_ref, w1i_ref, w1c_ref, b1_ref, w2_ref, o_ref):
    lane = lax.broadcasted_iota(jnp.int32, (_TB, 128), 1) >> 4
    uoff = lax.broadcast_in_dim(us_ref[...] & 7, (_TB, 128), (0,))
    ioff = lax.broadcast_in_dim(it_ref[...] & 7, (_TB, 128), (0,))
    xu = jnp.where(lane == uoff, ug_ref[...], 0.0)
    xi = jnp.where(lane == ioff, ig_ref[...], 0.0)
    h = (jax.lax.dot_general(xu, w1u_ref[...], (((1,), (0,)), ((), ())),
                             preferred_element_type=jnp.float32)
         + jax.lax.dot_general(xi, w1i_ref[...], (((1,), (0,)), ((), ())),
                               preferred_element_type=jnp.float32)
         + jax.lax.dot_general(cx_ref[...], w1c_ref[...],
                               (((1,), (0,)), ((), ())),
                               preferred_element_type=jnp.float32)
         + b1_ref[...])
    h = jnp.maximum(h, 0.0)
    o_ref[...] = jax.lax.dot_general(
        h, w2_ref[...], (((1,), (0,)), ((), ())),
        preferred_element_type=jnp.float32)[:, 0]


def _tc_mlp(ug, ig, users, items, ctx, w1u, w1i, w1c, b1f, w2):
    grid = (_B // _TB,)
    return pl.pallas_call(
        _mlp_body,
        grid=grid,
        in_specs=[
            pl.BlockSpec((_TB, 128), lambda j: (j, 0)),
            pl.BlockSpec((_TB, 128), lambda j: (j, 0)),
            pl.BlockSpec((_TB,), lambda j: (j,)),
            pl.BlockSpec((_TB,), lambda j: (j,)),
            pl.BlockSpec((_TB, _NCTX), lambda j: (j, 0)),
            pl.BlockSpec((128, _HID), lambda j: (0, 0)),
            pl.BlockSpec((128, _HID), lambda j: (0, 0)),
            pl.BlockSpec((_NCTX, _HID), lambda j: (0, 0)),
            pl.BlockSpec((1, _HID), lambda j: (0, 0)),
            pl.BlockSpec((_HID, 1), lambda j: (0, 0)),
        ],
        out_specs=pl.BlockSpec((_TB,), lambda j: (j,)),
        out_shape=jax.ShapeDtypeStruct((_B,), jnp.float32),
    )(ug, ig, users, items, ctx, w1u, w1i, w1c, b1f, w2)


_RR = 1024


def _repack_body(a_ref, i_ref, o_ref):
    t = jax.lax.dot_general(
        a_ref[...], i_ref[...], (((0,), (0,)), ((), ())),
        preferred_element_type=jnp.float32)
    t3 = t.reshape(_RR, 8, _EMB)
    for o in range(8):
        o_ref[:, o * _EMB:(o + 1) * _EMB] = t3[:, o, :]


def _repack(table_t):
    n = table_t.shape[1]
    grid = ((n + 8 * _RR - 1) // (8 * _RR),)
    return pl.pallas_call(
        _repack_body,
        grid=grid,
        in_specs=[
            pl.BlockSpec((_EMB, 8 * _RR), lambda j: (0, j)),
            pl.BlockSpec((_EMB, _EMB), lambda j: (0, 0)),
        ],
        out_specs=pl.BlockSpec((_RR, 128), lambda j: (j, 0)),
        out_shape=jax.ShapeDtypeStruct((n // 8, 128), jnp.float32),
    )(table_t, jnp.eye(_EMB, dtype=jnp.float32))


def kernel(users, items, context_features, user_table, item_table,
           ctx_W, ctx_b, W1, b1, W2, b2):
    tu = _repack(user_table.T)
    ti = _repack(item_table.T)
    us = users.astype(jnp.int32)
    it = items.astype(jnp.int32)
    ug = _sc_gather(tu, us)
    ig = _sc_gather(ti, it)
    w1c = ctx_W @ W1[2 * _EMB:, :]
    b1f = (b1 + ctx_b @ W1[2 * _EMB:, :])[None, :]
    w1u = jnp.tile(W1[:_EMB, :], (8, 1))
    w1i = jnp.tile(W1[_EMB:2 * _EMB, :], (8, 1))
    w2 = W2 + 0.0
    out = _tc_mlp(ug, ig, us, it, context_features, w1u, w1i, w1c, b1f, w2)
    return out + b2[0]

# --- scband reference (transcript-rebuilt; emitter-appended) ---
"""Pipeline reference for scband-ncfwith-context-88252987998527 (READ-ONLY COPY).

The authoritative reference and input builder live on the scoring server;
editing this copy changes nothing except your own understanding.
"""

import jax, jax.numpy as jnp
import numpy as np

NUM_USERS = 1000000
NUM_ITEMS = 1000000
NUM_CTX = 8
EMB = 16
HID = 32
BATCH = 16384

def setup_inputs(seed: int = 0) -> dict:
    key = jax.random.key(seed)
    ks = jax.random.split(key, 12)
    users = jax.random.randint(ks[0], (BATCH,), 0, NUM_USERS, dtype=jnp.int64 if jax.config.jax_enable_x64 else jnp.int32)
    items = jax.random.randint(ks[1], (BATCH,), 0, NUM_ITEMS, dtype=jnp.int64 if jax.config.jax_enable_x64 else jnp.int32)
    context_features = jax.random.normal(ks[2], (BATCH, NUM_CTX), dtype=jnp.float32)
    user_table = jax.random.normal(ks[3], (NUM_USERS, EMB), dtype=jnp.float32) * 0.02
    item_table = jax.random.normal(ks[4], (NUM_ITEMS, EMB), dtype=jnp.float32) * 0.02
    ctx_W = jax.random.normal(ks[5], (NUM_CTX, EMB), dtype=jnp.float32) * (1.0 / np.sqrt(NUM_CTX))
    ctx_b = jnp.zeros((EMB,), dtype=jnp.float32)
    W1 = jax.random.normal(ks[6], (3 * EMB, HID), dtype=jnp.float32) * (1.0 / np.sqrt(3 * EMB))
    b1 = jnp.zeros((HID,), dtype=jnp.float32)
    W2 = jax.random.normal(ks[7], (HID, 1), dtype=jnp.float32) * (1.0 / np.sqrt(HID))
    b2 = jnp.zeros((1,), dtype=jnp.float32)
    return {"users": users, "items": items, "context_features": context_features,
            "user_table": user_table, "item_table": item_table,
            "ctx_W": ctx_W, "ctx_b": ctx_b, "W1": W1, "b1": b1, "W2": W2, "b2": b2}

def reference(users, items, context_features, user_table, item_table, ctx_W, ctx_b, W1, b1, W2, b2):
    # Embedding lookups (gather -> SparseCore)
    user_emb = jnp.take(user_table, users, axis=0)
    item_emb = jnp.take(item_table, items, axis=0)
    # Context linear projection
    ctx_emb = context_features @ ctx_W + ctx_b
    ui = jnp.concatenate([user_emb, item_emb], axis=1)
    uic = jnp.concatenate([ui, ctx_emb], axis=1)
    # Dropout is identity in inference mode
    h = jnp.maximum(uic @ W1 + b1, 0.0)
    out = h @ W2 + b2
    return jnp.squeeze(out, axis=-1)

if __name__ == "__main__":
    import jax
    _d = setup_inputs()
    print(jax.jit(kernel)(*tuple(_d.values())))

</pallas_src>

<mosaic_0001>
#map = affine_map<(d0, d1) -> (0, 0)>
#map1 = affine_map<(d0, d1) -> (0)>
module attributes {stable_mosaic.version = 14 : i64} {
  func.func @k(%arg0: i32, %arg1: i32, %arg2: memref<125000x128xf32, #tpu.memory_space<hbm>>, %arg3: memref<16384xi32, #tpu.memory_space<hbm>>, %arg4: memref<16384x128xf32, #tpu.memory_space<hbm>>, %arg5: memref<512xi32, #tpu.memory_space<vmem>>, %arg6: memref<256xi32, #tpu.memory_space<vmem>>, %arg7: memref<256xi32, #tpu.memory_space<vmem>>, %arg8: memref<256x128xf32, #tpu.memory_space<vmem>>, %arg9: memref<256x128xf32, #tpu.memory_space<vmem>>, %arg10: memref<!tpu.dma_semaphore, #tpu.memory_space<semaphore_mem>>, %arg11: memref<!tpu.dma_semaphore, #tpu.memory_space<semaphore_mem>>) attributes {dimension_semantics = [#tpu.dimension_semantics<core_parallel>, #tpu.dimension_semantics<subcore_parallel>], iteration_bounds = array<i64: 2, 16>, scalar_prefetch = 0 : i64, scratch_operands = 7 : i64, tpu.core_type = #tpu.core_type<sc_vector_subcore>, window_params = [{transform_indices = #map}, {transform_indices = #map1}, {transform_indices = #map}]} {
    %mul3A = arith.constant 2 : i32
    %mul3A_0 = arith.muli %arg1, %mul3A : i32
    %add3A = arith.addi %mul3A_0, %arg0 : i32
    %mul3A_1 = arith.constant 512 : i32
    %mul3A_2 = arith.muli %add3A, %mul3A_1 : i32
    "tpu.region"() ({
      %run_scoped3A = tpu.sem_alloc : memref<!tpu.dma_semaphore, #tpu.memory_space<semaphore_mem>>
      %dma_start3A_26 = tpu.memref_slice %arg3[%mul3A_2] : memref<16384xi32, #tpu.memory_space<hbm>> -> memref<512xi32, #tpu.memory_space<hbm>>
      %dma_start3A_27 = tpu.memref_slice %arg3[%mul3A_2] : memref<16384xi32, #tpu.memory_space<hbm>> -> memref<512xi32, #tpu.memory_space<hbm>>
      tpu.enqueue_dma source(%dma_start3A_27 : memref<512xi32, #tpu.memory_space<hbm>>) target(%arg5 : memref<512xi32, #tpu.memory_space<vmem>>) target_semaphore(%run_scoped3A : memref<!tpu.dma_semaphore, #tpu.memory_space<semaphore_mem>>)
      %dma_wait3A_28 = tpu.memref_slice %arg3[%mul3A_2] : memref<16384xi32, #tpu.memory_space<hbm>> -> memref<512xi32, #tpu.memory_space<hbm>>
      %dma_wait3A_29 = tpu.memref_slice %arg3[%mul3A_2] : memref<16384xi32, #tpu.memory_space<hbm>> -> memref<512xi32, #tpu.memory_space<hbm>>
      tpu.wait_dma2 semaphore(%run_scoped3A : memref<!tpu.dma_semaphore, #tpu.memory_space<semaphore_mem>>) src(%dma_wait3A_29 : memref<512xi32, #tpu.memory_space<hbm>>) dst(%arg5 : memref<512xi32, #tpu.memory_space<vmem>>)
      tpu.yield
    }) : () -> ()
    %scan3A = arith.constant 0 : i32
    %scan3A_3 = arith.constant 16 : i32
    %scan3A_4 = arith.addi %scan3A, %scan3A_3 : i32
    %scan3A_5 = arith.constant 1 : i32
    scf.for %scan3A_26 = %scan3A to %scan3A_4 step %scan3A_5  : i32 {
      %mul3A_27 = arith.constant 16 : i32
      %mul3A_28 = arith.muli %scan3A_26, %mul3A_27 : i32
      %add3A_29 = arith.constant 0 : i32
      %add3A_30 = arith.addi %add3A_29, %mul3A_28 : i32
      %get3A = arith.index_cast %add3A_30 : i32 to index
      %get3A_31 = tpu.vector_load %arg5[%get3A] {strides = array<i32>} : memref<512xi32, #tpu.memory_space<vmem>>, vector<16xi32>,
      %shift_right_arithmetic3A = arith.constant 3 : i32
      %shift_right_arithmetic3A_32 = vector.broadcast %shift_right_arithmetic3A : i32 to vector<16xi32>
      %shift_right_arithmetic3A_33 = arith.shrsi %get3A_31, %shift_right_arithmetic3A_32 : vector<16xi32>
      %mul3A_34 = arith.constant 16 : i32
      %mul3A_35 = arith.muli %scan3A_26, %mul3A_34 : i32
      %swap3A = arith.index_cast %mul3A_35 : i32 to index
      %swap3A_36 = tpu.vector_load %arg6[%swap3A] {strides = array<i32>} : memref<256xi32, #tpu.memory_space<vmem>>, vector<16xi32>,
      tpu.vector_store %arg6[%swap3A], %shift_right_arithmetic3A_33 {strides = array<i32>} : memref<256xi32, #tpu.memory_space<vmem>>, vector<16xi32>,
    }
    %scan3A_6 = arith.constant 16 : i32
    %scan3A_7 = arith.constant 0 : i32
    %scan3A_8 = arith.constant 16 : i32
    %scan3A_9 = arith.addi %scan3A_7, %scan3A_8 : i32
    %scan3A_10 = arith.constant 1 : i32
    scf.for %scan3A_26 = %scan3A_7 to %scan3A_9 step %scan3A_10  : i32 {
      %mul3A_27 = arith.constant 16 : i32
      %mul3A_28 = arith.muli %scan3A_26, %mul3A_27 : i32
      %add3A_29 = arith.constant 256 : i32
      %add3A_30 = arith.addi %add3A_29, %mul3A_28 : i32
      %get3A = arith.index_cast %add3A_30 : i32 to index
      %get3A_31 = tpu.vector_load %arg5[%get3A] {strides = array<i32>} : memref<512xi32, #tpu.memory_space<vmem>>, vector<16xi32>,
      %shift_right_arithmetic3A = arith.constant 3 : i32
      %shift_right_arithmetic3A_32 = vector.broadcast %shift_right_arithmetic3A : i32 to vector<16xi32>
      %shift_right_arithmetic3A_33 = arith.shrsi %get3A_31, %shift_right_arithmetic3A_32 : vector<16xi32>
      %mul3A_34 = arith.constant 16 : i32
      %mul3A_35 = arith.muli %scan3A_26, %mul3A_34 : i32
      %swap3A = arith.index_cast %mul3A_35 : i32 to index
      %swap3A_36 = tpu.vector_load %arg7[%swap3A] {strides = array<i32>} : memref<256xi32, #tpu.memory_space<vmem>>, vector<16xi32>,
      tpu.vector_store %arg7[%swap3A], %shift_right_arithmetic3A_33 {strides = array<i32>} : memref<256xi32, #tpu.memory_space<vmem>>, vector<16xi32>,
    }
    %scan3A_11 = arith.constant 16 : i32
    %dma_start3A = arith.constant 0 : i32
    %dma_start3A_12 = arith.constant 0 : i32
    %dma_start3A_13 = tpu.memref_slice %arg2[%dma_start3A, %dma_start3A_12] : memref<125000x128xf32, #tpu.memory_space<hbm>> -> memref<125000x128xf32, #tpu.memory_space<hbm>>
    tpu.enqueue_indirect_dma source(%dma_start3A_13 : memref<125000x128xf32, #tpu.memory_space<hbm>>) target(%arg8 : memref<256x128xf32, #tpu.memory_space<vmem>>) offsets(%arg6 : memref<256xi32, #tpu.memory_space<vmem>>) semaphore(%arg10 : memref<!tpu.dma_semaphore, #tpu.memory_space<semaphore_mem>>)
    %dma_start3A_14 = arith.constant 0 : i32
    %dma_start3A_15 = arith.constant 0 : i32
    %dma_start3A_16 = tpu.memref_slice %arg2[%dma_start3A_14, %dma_start3A_15] : memref<125000x128xf32, #tpu.memory_space<hbm>> -> memref<125000x128xf32, #tpu.memory_space<hbm>>
    tpu.enqueue_indirect_dma source(%dma_start3A_16 : memref<125000x128xf32, #tpu.memory_space<hbm>>) target(%arg9 : memref<256x128xf32, #tpu.memory_space<vmem>>) offsets(%arg7 : memref<256xi32, #tpu.memory_space<vmem>>) semaphore(%arg11 : memref<!tpu.dma_semaphore, #tpu.memory_space<semaphore_mem>>)
    %dma_wait3A = arith.constant 0 : i32
    %dma_wait3A_17 = arith.constant 0 : i32
    %dma_wait3A_18 = tpu.memref_slice %arg2[%dma_wait3A, %dma_wait3A_17] : memref<125000x128xf32, #tpu.memory_space<hbm>> -> memref<125000x128xf32, #tpu.memory_space<hbm>>
    tpu.wait_indirect_dma semaphore(%arg10 : memref<!tpu.dma_semaphore, #tpu.memory_space<semaphore_mem>>) src(%dma_wait3A_18 : memref<125000x128xf32, #tpu.memory_space<hbm>>) dst(%arg8 : memref<256x128xf32, #tpu.memory_space<vmem>>)
    %add3A_19 = arith.constant 0 : i32
    %add3A_20 = arith.addi %mul3A_2, %add3A_19 : i32
    "tpu.region"() ({
      %run_scoped3A = tpu.sem_alloc : memref<!tpu.dma_semaphore, #tpu.memory_space<semaphore_mem>>
      %dma_start3A_26 = arith.constant 0 : i32
      %dma_start3A_27 = tpu.memref_slice %arg4[%add3A_20, %dma_start3A_26] : memref<16384x128xf32, #tpu.memory_space<hbm>> -> memref<256x128xf32, #tpu.memory_space<hbm>>
      %dma_start3A_28 = arith.constant 0 : i32
      %dma_start3A_29 = tpu.memref_slice %arg4[%add3A_20, %dma_start3A_28] : memref<16384x128xf32, #tpu.memory_space<hbm>> -> memref<256x128xf32, #tpu.memory_space<hbm>>
      tpu.enqueue_dma source(%arg8 : memref<256x128xf32, #tpu.memory_space<vmem>>) target(%dma_start3A_29 : memref<256x128xf32, #tpu.memory_space<hbm>>) target_semaphore(%run_scoped3A : memref<!tpu.dma_semaphore, #tpu.memory_space<semaphore_mem>>)
      %dma_wait3A_30 = arith.constant 0 : i32
      %dma_wait3A_31 = tpu.memref_slice %arg4[%add3A_20, %dma_wait3A_30] : memref<16384x128xf32, #tpu.memory_space<hbm>> -> memref<256x128xf32, #tpu.memory_space<hbm>>
      %dma_wait3A_32 = arith.constant 0 : i32
      %dma_wait3A_33 = tpu.memref_slice %arg4[%add3A_20, %dma_wait3A_32] : memref<16384x128xf32, #tpu.memory_space<hbm>> -> memref<256x128xf32, #tpu.memory_space<hbm>>
      tpu.wait_dma2 semaphore(%run_scoped3A : memref<!tpu.dma_semaphore, #tpu.memory_space<semaphore_mem>>) src(%arg8 : memref<256x128xf32, #tpu.memory_space<vmem>>) dst(%dma_wait3A_33 : memref<256x128xf32, #tpu.memory_space<hbm>>)
      tpu.yield
    }) : () -> ()
    %dma_wait3A_21 = arith.constant 0 : i32
    %dma_wait3A_22 = arith.constant 0 : i32
    %dma_wait3A_23 = tpu.memref_slice %arg2[%dma_wait3A_21, %dma_wait3A_22] : memref<125000x128xf32, #tpu.memory_space<hbm>> -> memref<125000x128xf32, #tpu.memory_space<hbm>>
    tpu.wait_indirect_dma semaphore(%arg11 : memref<!tpu.dma_semaphore, #tpu.memory_space<semaphore_mem>>) src(%dma_wait3A_23 : memref<125000x128xf32, #tpu.memory_space<hbm>>) dst(%arg9 : memref<256x128xf32, #tpu.memory_space<vmem>>)
    %add3A_24 = arith.constant 256 : i32
    %add3A_25 = arith.addi %mul3A_2, %add3A_24 : i32
    "tpu.region"() ({
      %run_scoped3A = tpu.sem_alloc : memref<!tpu.dma_semaphore, #tpu.memory_space<semaphore_mem>>
      %dma_start3A_26 = arith.constant 0 : i32
      %dma_start3A_27 = tpu.memref_slice %arg4[%add3A_25, %dma_start3A_26] : memref<16384x128xf32, #tpu.memory_space<hbm>> -> memref<256x128xf32, #tpu.memory_space<hbm>>
      %dma_start3A_28 = arith.constant 0 : i32
      %dma_start3A_29 = tpu.memref_slice %arg4[%add3A_25, %dma_start3A_28] : memref<16384x128xf32, #tpu.memory_space<hbm>> -> memref<256x128xf32, #tpu.memory_space<hbm>>
      tpu.enqueue_dma source(%arg9 : memref<256x128xf32, #tpu.memory_space<vmem>>) target(%dma_start3A_29 : memref<256x128xf32, #tpu.memory_space<hbm>>) target_semaphore(%run_scoped3A : memref<!tpu.dma_semaphore, #tpu.memory_space<semaphore_mem>>)
      %dma_wait3A_30 = arith.constant 0 : i32
      %dma_wait3A_31 = tpu.memref_slice %arg4[%add3A_25, %dma_wait3A_30] : memref<16384x128xf32, #tpu.memory_space<hbm>> -> memref<256x128xf32, #tpu.memory_space<hbm>>
      %dma_wait3A_32 = arith.constant 0 : i32
      %dma_wait3A_33 = tpu.memref_slice %arg4[%add3A_25, %dma_wait3A_32] : memref<16384x128xf32, #tpu.memory_space<hbm>> -> memref<256x128xf32, #tpu.memory_space<hbm>>
      tpu.wait_dma2 semaphore(%run_scoped3A : memref<!tpu.dma_semaphore, #tpu.memory_space<semaphore_mem>>) src(%arg9 : memref<256x128xf32, #tpu.memory_space<vmem>>) dst(%dma_wait3A_33 : memref<256x128xf32, #tpu.memory_space<hbm>>)
      tpu.yield
    }) : () -> ()
    return
  }
}

#map = affine_map<(d0, d1) -> (0, 0)>
#map1 = affine_map<(d0, d1) -> (0)>
module attributes {stable_mosaic.version = 14 : i64} {
  func.func @k(%arg0: i32, %arg1: i32, %arg2: memref<125000x128xf32, #tpu.memory_space<hbm>>, %arg3: memref<16384xi32, #tpu.memory_space<hbm>>, %arg4: memref<16384x128xf32, #tpu.memory_space<hbm>>, %arg5: memref<512xi32, #tpu.memory_space<vmem>>, %arg6: memref<256xi32, #tpu.memory_space<vmem>>, %arg7: memref<256xi32, #tpu.memory_space<vmem>>, %arg8: memref<256x128xf32, #tpu.memory_space<vmem>>, %arg9: memref<256x128xf32, #tpu.memory_space<vmem>>, %arg10: memref<!tpu.dma_semaphore, #tpu.memory_space<semaphore_mem>>, %arg11: memref<!tpu.dma_semaphore, #tpu.memory_space<semaphore_mem>>) attributes {dimension_semantics = [#tpu.dimension_semantics<core_parallel>, #tpu.dimension_semantics<subcore_parallel>], iteration_bounds = array<i64: 2, 16>, scalar_prefetch = 0 : i64, scratch_operands = 7 : i64, tpu.core_type = #tpu.core_type<sc_vector_subcore>, window_params = [{transform_indices = #map}, {transform_indices = #map1}, {transform_indices = #map}]} {
    %mul3A = arith.constant 2 : i32
    %mul3A_0 = arith.muli %arg1, %mul3A : i32
    %add3A = arith.addi %mul3A_0, %arg0 : i32
    %mul3A_1 = arith.constant 512 : i32
    %mul3A_2 = arith.muli %add3A, %mul3A_1 : i32
    "tpu.region"() ({
      %run_scoped3A = tpu.sem_alloc : memref<!tpu.dma_semaphore, #tpu.memory_space<semaphore_mem>>
      %dma_start3A_26 = tpu.memref_slice %arg3[%mul3A_2] : memref<16384xi32, #tpu.memory_space<hbm>> -> memref<512xi32, #tpu.memory_space<hbm>>
      %dma_start3A_27 = tpu.memref_slice %arg3[%mul3A_2] : memref<16384xi32, #tpu.memory_space<hbm>> -> memref<512xi32, #tpu.memory_space<hbm>>
      tpu.enqueue_dma source(%dma_start3A_27 : memref<512xi32, #tpu.memory_space<hbm>>) target(%arg5 : memref<512xi32, #tpu.memory_space<vmem>>) target_semaphore(%run_scoped3A : memref<!tpu.dma_semaphore, #tpu.memory_space<semaphore_mem>>)
      %dma_wait3A_28 = tpu.memref_slice %arg3[%mul3A_2] : memref<16384xi32, #tpu.memory_space<hbm>> -> memref<512xi32, #tpu.memory_space<hbm>>
      %dma_wait3A_29 = tpu.memref_slice %arg3[%mul3A_2] : memref<16384xi32, #tpu.memory_space<hbm>> -> memref<512xi32, #tpu.memory_space<hbm>>
      tpu.wait_dma2 semaphore(%run_scoped3A : memref<!tpu.dma_semaphore, #tpu.memory_space<semaphore_mem>>) src(%dma_wait3A_29 : memref<512xi32, #tpu.memory_space<hbm>>) dst(%arg5 : memref<512xi32, #tpu.memory_space<vmem>>)
      tpu.yield
    }) : () -> ()
    %scan3A = arith.constant 0 : i32
    %scan3A_3 = arith.constant 16 : i32
    %scan3A_4 = arith.addi %scan3A, %scan3A_3 : i32
    %scan3A_5 = arith.constant 1 : i32
    scf.for %scan3A_26 = %scan3A to %scan3A_4 step %scan3A_5  : i32 {
      %mul3A_27 = arith.constant 16 : i32
      %mul3A_28 = arith.muli %scan3A_26, %mul3A_27 : i32
      %add3A_29 = arith.constant 0 : i32
      %add3A_30 = arith.addi %add3A_29, %mul3A_28 : i32
      %get3A = arith.index_cast %add3A_30 : i32 to index
      %get3A_31 = tpu.vector_load %arg5[%get3A] {strides = array<i32>} : memref<512xi32, #tpu.memory_space<vmem>>, vector<16xi32>,
      %shift_right_arithmetic3A = arith.constant 3 : i32
      %shift_right_arithmetic3A_32 = vector.broadcast %shift_right_arithmetic3A : i32 to vector<16xi32>
      %shift_right_arithmetic3A_33 = arith.shrsi %get3A_31, %shift_right_arithmetic3A_32 : vector<16xi32>
      %mul3A_34 = arith.constant 16 : i32
      %mul3A_35 = arith.muli %scan3A_26, %mul3A_34 : i32
      %swap3A = arith.index_cast %mul3A_35 : i32 to index
      %swap3A_36 = tpu.vector_load %arg6[%swap3A] {strides = array<i32>} : memref<256xi32, #tpu.memory_space<vmem>>, vector<16xi32>,
      tpu.vector_store %arg6[%swap3A], %shift_right_arithmetic3A_33 {strides = array<i32>} : memref<256xi32, #tpu.memory_space<vmem>>, vector<16xi32>,
    }
    %scan3A_6 = arith.constant 16 : i32
    %scan3A_7 = arith.constant 0 : i32
    %scan3A_8 = arith.constant 16 : i32
    %scan3A_9 = arith.addi %scan3A_7, %scan3A_8 : i32
    %scan3A_10 = arith.constant 1 : i32
    scf.for %scan3A_26 = %scan3A_7 to %scan3A_9 step %scan3A_10  : i32 {
      %mul3A_27 = arith.constant 16 : i32
      %mul3A_28 = arith.muli %scan3A_26, %mul3A_27 : i32
      %add3A_29 = arith.constant 256 : i32
      %add3A_30 = arith.addi %add3A_29, %mul3A_28 : i32
      %get3A = arith.index_cast %add3A_30 : i32 to index
      %get3A_31 = tpu.vector_load %arg5[%get3A] {strides = array<i32>} : memref<512xi32, #tpu.memory_space<vmem>>, vector<16xi32>,
      %shift_right_arithmetic3A = arith.constant 3 : i32
      %shift_right_arithmetic3A_32 = vector.broadcast %shift_right_arithmetic3A : i32 to vector<16xi32>
      %shift_right_arithmetic3A_33 = arith.shrsi %get3A_31, %shift_right_arithmetic3A_32 : vector<16xi32>
      %mul3A_34 = arith.constant 16 : i32
      %mul3A_35 = arith.muli %scan3A_26, %mul3A_34 : i32
      %swap3A = arith.index_cast %mul3A_35 : i32 to index
      %swap3A_36 = tpu.vector_load %arg7[%swap3A] {strides = array<i32>} : memref<256xi32, #tpu.memory_space<vmem>>, vector<16xi32>,
      tpu.vector_store %arg7[%swap3A], %shift_right_arithmetic3A_33 {strides = array<i32>} : memref<256xi32, #tpu.memory_space<vmem>>, vector<16xi32>,
    }
    %scan3A_11 = arith.constant 16 : i32
    %dma_start3A = arith.constant 0 : i32
    %dma_start3A_12 = arith.constant 0 : i32
    %dma_start3A_13 = tpu.memref_slice %arg2[%dma_start3A, %dma_start3A_12] : memref<125000x128xf32, #tpu.memory_space<hbm>> -> memref<125000x128xf32, #tpu.memory_space<hbm>>
    tpu.enqueue_indirect_dma source(%dma_start3A_13 : memref<125000x128xf32, #tpu.memory_space<hbm>>) target(%arg8 : memref<256x128xf32, #tpu.memory_space<vmem>>) offsets(%arg6 : memref<256xi32, #tpu.memory_space<vmem>>) semaphore(%arg10 : memref<!tpu.dma_semaphore, #tpu.memory_space<semaphore_mem>>)
    %dma_start3A_14 = arith.constant 0 : i32
    %dma_start3A_15 = arith.constant 0 : i32
    %dma_start3A_16 = tpu.memref_slice %arg2[%dma_start3A_14, %dma_start3A_15] : memref<125000x128xf32, #tpu.memory_space<hbm>> -> memref<125000x128xf32, #tpu.memory_space<hbm>>
    tpu.enqueue_indirect_dma source(%dma_start3A_16 : memref<125000x128xf32, #tpu.memory_space<hbm>>) target(%arg9 : memref<256x128xf32, #tpu.memory_space<vmem>>) offsets(%arg7 : memref<256xi32, #tpu.memory_space<vmem>>) semaphore(%arg11 : memref<!tpu.dma_semaphore, #tpu.memory_space<semaphore_mem>>)
    %dma_wait3A = arith.constant 0 : i32
    %dma_wait3A_17 = arith.constant 0 : i32
    %dma_wait3A_18 = tpu.memref_slice %arg2[%dma_wait3A, %dma_wait3A_17] : memref<125000x128xf32, #tpu.memory_space<hbm>> -> memref<125000x128xf32, #tpu.memory_space<hbm>>
    tpu.wait_indirect_dma semaphore(%arg10 : memref<!tpu.dma_semaphore, #tpu.memory_space<semaphore_mem>>) src(%dma_wait3A_18 : memref<125000x128xf32, #tpu.memory_space<hbm>>) dst(%arg8 : memref<256x128xf32, #tpu.memory_space<vmem>>)
    %add3A_19 = arith.constant 0 : i32
    %add3A_20 = arith.addi %mul3A_2, %add3A_19 : i32
    "tpu.region"() ({
      %run_scoped3A = tpu.sem_alloc : memref<!tpu.dma_semaphore, #tpu.memory_space<semaphore_mem>>
      %dma_start3A_26 = arith.constant 0 : i32
      %dma_start3A_27 = tpu.memref_slice %arg4[%add3A_20, %dma_start3A_26] : memref<16384x128xf32, #tpu.memory_space<hbm>> -> memref<256x128xf32, #tpu.memory_space<hbm>>
      %dma_start3A_28 = arith.constant 0 : i32
      %dma_start3A_29 = tpu.memref_slice %arg4[%add3A_20, %dma_start3A_28] : memref<16384x128xf32, #tpu.memory_space<hbm>> -> memref<256x128xf32, #tpu.memory_space<hbm>>
      tpu.enqueue_dma source(%arg8 : memref<256x128xf32, #tpu.memory_space<vmem>>) target(%dma_start3A_29 : memref<256x128xf32, #tpu.memory_space<hbm>>) target_semaphore(%run_scoped3A : memref<!tpu.dma_semaphore, #tpu.memory_space<semaphore_mem>>)
      %dma_wait3A_30 = arith.constant 0 : i32
      %dma_wait3A_31 = tpu.memref_slice %arg4[%add3A_20, %dma_wait3A_30] : memref<16384x128xf32, #tpu.memory_space<hbm>> -> memref<256x128xf32, #tpu.memory_space<hbm>>
      %dma_wait3A_32 = arith.constant 0 : i32
      %dma_wait3A_33 = tpu.memref_slice %arg4[%add3A_20, %dma_wait3A_32] : memref<16384x128xf32, #tpu.memory_space<hbm>> -> memref<256x128xf32, #tpu.memory_space<hbm>>
      tpu.wait_dma2 semaphore(%run_scoped3A : memref<!tpu.dma_semaphore, #tpu.memory_space<semaphore_mem>>) src(%arg8 : memref<256x128xf32, #tpu.memory_space<vmem>>) dst(%dma_wait3A_33 : memref<256x128xf32, #tpu.memory_space<hbm>>)
      tpu.yield
    }) : () -> ()
    %dma_wait3A_21 = arith.constant 0 : i32
    %dma_wait3A_22 = arith.constant 0 : i32
    %dma_wait3A_23 = tpu.memref_slice %arg2[%dma_wait3A_21, %dma_wait3A_22] : memref<125000x128xf32, #tpu.memory_space<hbm>> -> memref<125000x128xf32, #tpu.memory_space<hbm>>
    tpu.wait_indirect_dma semaphore(%arg11 : memref<!tpu.dma_semaphore, #tpu.memory_space<semaphore_mem>>) src(%dma_wait3A_23 : memref<125000x128xf32, #tpu.memory_space<hbm>>) dst(%arg9 : memref<256x128xf32, #tpu.memory_space<vmem>>)
    %add3A_24 = arith.constant 256 : i32
    %add3A_25 = arith.addi %mul3A_2, %add3A_24 : i32
    "tpu.region"() ({
      %run_scoped3A = tpu.sem_alloc : memref<!tpu.dma_semaphore, #tpu.memory_space<semaphore_mem>>
      %dma_start3A_26 = arith.constant 0 : i32
      %dma_start3A_27 = tpu.memref_slice %arg4[%add3A_25, %dma_start3A_26] : memref<16384x128xf32, #tpu.memory_space<hbm>> -> memref<256x128xf32, #tpu.memory_space<hbm>>
      %dma_start3A_28 = arith.constant 0 : i32
      %dma_start3A_29 = tpu.memref_slice %arg4[%add3A_25, %dma_start3A_28] : memref<16384x128xf32, #tpu.memory_space<hbm>> -> memref<256x128xf32, #tpu.memory_space<hbm>>
      tpu.enqueue_dma source(%arg9 : memref<256x128xf32, #tpu.memory_space<vmem>>) target(%dma_start3A_29 : memref<256x128xf32, #tpu.memory_space<hbm>>) target_semaphore(%run_scoped3A : memref<!tpu.dma_semaphore, #tpu.memory_space<semaphore_mem>>)
      %dma_wait3A_30 = arith.constant 0 : i32
      %dma_wait3A_31 = tpu.memref_slice %arg4[%add3A_25, %dma_wait3A_30] : memref<16384x128xf32, #tpu.memory_space<hbm>> -> memref<256x128xf32, #tpu.memory_space<hbm>>
      %dma_wait3A_32 = arith.constant 0 : i32
      %dma_wait3A_33 = tpu.memref_slice %arg4[%add3A_25, %dma_wait3A_32] : memref<16384x128xf32, #tpu.memory_space<hbm>> -> memref<256x128xf32, #tpu.memory_space<hbm>>
      tpu.wait_dma2 semaphore(%run_scoped3A : memref<!tpu.dma_semaphore, #tpu.memory_space<semaphore_mem>>) src(%arg9 : memref<256x128xf32, #tpu.memory_space<vmem>>) dst(%dma_wait3A_33 : memref<256x128xf32, #tpu.memory_space<hbm>>)
      tpu.yield
    }) : () -> ()
    return
  }
}

module attributes {stable_mosaic.version = 14 : i64} {
  func.func @_repack_body(%arg0: i32, %arg1: memref<16x8192xf32, #tpu.memory_space<vmem>>, %arg2: memref<16x16xf32, #tpu.memory_space<vmem>>, %arg3: memref<1024x128xf32, #tpu.memory_space<vmem>>) attributes {dimension_semantics = [#tpu.dimension_semantics<arbitrary>], iteration_bounds = array<i64: 123>, scalar_prefetch = 0 : i64, scratch_operands = 0 : i64, tpu.core_type = #tpu.core_type<tc>, window_params = [{transform_indices = @transform_0, window_bounds = array<i64: 16, 8192>}, {pipeline_mode = #tpu.pipeline_mode<synchronous>, transform_indices = @transform_1, window_bounds = array<i64: 16, 16>}, {transform_indices = @transform_2, window_bounds = array<i64: 1024, 128>}]} {
    %get3A = arith.constant 0 : index
    %get3A_0 = arith.constant 0 : index
    %get3A_1 = vector.load %arg1[%get3A, %get3A_0] : memref<16x8192xf32, #tpu.memory_space<vmem>>, vector<16x8192xf32>
    %get3A_2 = arith.constant 0 : index
    %get3A_3 = arith.constant 0 : index
    %get3A_4 = vector.load %arg2[%get3A_2, %get3A_3] : memref<16x16xf32, #tpu.memory_space<vmem>>, vector<16x16xf32>
    %dot_general3A = arith.constant dense<0.000000e+00> : vector<8192x16xf32>
    %dot_general3A_5 = tpu.matmul %get3A_1, %get3A_4, %dot_general3A {dimension_numbers = #tpu.dot_dimension_numbers<[0], [0], [1], [1], [0, 1, 1, 1], [], []>, transpose_lhs_hint = false} : vector<16x8192xf32>, vector<16x16xf32>, vector<8192x16xf32> -> vector<8192x16xf32>
    %reshape3A = vector.shape_cast %dot_general3A_5 : vector<8192x16xf32> to vector<1024x8x16xf32>
    %slice3A = vector.extract_strided_slice %reshape3A {offsets = [0, 0, 0], sizes = [1024, 1, 16], strides = [1, 1, 1]} : vector<1024x8x16xf32> to vector<1024x1x16xf32>
    %squeeze3A = vector.shape_cast %slice3A : vector<1024x1x16xf32> to vector<1024x16xf32>
    %swap3A = arith.constant 0 : index
    %swap3A_6 = arith.constant 0 : index
    %swap3A_7 = vector.load %arg3[%swap3A, %swap3A_6] : memref<1024x128xf32, #tpu.memory_space<vmem>>, vector<1024x16xf32>
    tpu.vector_store %arg3[%swap3A, %swap3A_6], %squeeze3A {strides = array<i32>} : memref<1024x128xf32, #tpu.memory_space<vmem>>, vector<1024x16xf32>,
    %slice3A_8 = vector.extract_strided_slice %reshape3A {offsets = [0, 1, 0], sizes = [1024, 1, 16], strides = [1, 1, 1]} : vector<1024x8x16xf32> to vector<1024x1x16xf32>
    %squeeze3A_9 = vector.shape_cast %slice3A_8 : vector<1024x1x16xf32> to vector<1024x16xf32>
    %swap3A_10 = arith.constant 0 : index
    %swap3A_11 = arith.constant 16 : index
    %swap3A_12 = vector.load %arg3[%swap3A_10, %swap3A_11] : memref<1024x128xf32, #tpu.memory_space<vmem>>, vector<1024x16xf32>
    tpu.vector_store %arg3[%swap3A_10, %swap3A_11], %squeeze3A_9 {strides = array<i32>} : memref<1024x128xf32, #tpu.memory_space<vmem>>, vector<1024x16xf32>,
    %slice3A_13 = vector.extract_strided_slice %reshape3A {offsets = [0, 2, 0], sizes = [1024, 1, 16], strides = [1, 1, 1]} : vector<1024x8x16xf32> to vector<1024x1x16xf32>
    %squeeze3A_14 = vector.shape_cast %slice3A_13 : vector<1024x1x16xf32> to vector<1024x16xf32>
    %swap3A_15 = arith.constant 0 : index
    %swap3A_16 = arith.constant 32 : index
    %swap3A_17 = vector.load %arg3[%swap3A_15, %swap3A_16] : memref<1024x128xf32, #tpu.memory_space<vmem>>, vector<1024x16xf32>
    tpu.vector_store %arg3[%swap3A_15, %swap3A_16], %squeeze3A_14 {strides = array<i32>} : memref<1024x128xf32, #tpu.memory_space<vmem>>, vector<1024x16xf32>,
    %slice3A_18 = vector.extract_strided_slice %reshape3A {offsets = [0, 3, 0], sizes = [1024, 1, 16], strides = [1, 1, 1]} : vector<1024x8x16xf32> to vector<1024x1x16xf32>
    %squeeze3A_19 = vector.shape_cast %slice3A_18 : vector<1024x1x16xf32> to vector<1024x16xf32>
    %swap3A_20 = arith.constant 0 : index
    %swap3A_21 = arith.constant 48 : index
    %swap3A_22 = vector.load %arg3[%swap3A_20, %swap3A_21] : memref<1024x128xf32, #tpu.memory_space<vmem>>, vector<1024x16xf32>
    tpu.vector_store %arg3[%swap3A_20, %swap3A_21], %squeeze3A_19 {strides = array<i32>} : memref<1024x128xf32, #tpu.memory_space<vmem>>, vector<1024x16xf32>,
    %slice3A_23 = vector.extract_strided_slice %reshape3A {offsets = [0, 4, 0], sizes = [1024, 1, 16], strides = [1, 1, 1]} : vector<1024x8x16xf32> to vector<1024x1x16xf32>
    %squeeze3A_24 = vector.shape_cast %slice3A_23 : vector<1024x1x16xf32> to vector<1024x16xf32>
    %swap3A_25 = arith.constant 0 : index
    %swap3A_26 = arith.constant 64 : index
    %swap3A_27 = vector.load %arg3[%swap3A_25, %swap3A_26] : memref<1024x128xf32, #tpu.memory_space<vmem>>, vector<1024x16xf32>
    tpu.vector_store %arg3[%swap3A_25, %swap3A_26], %squeeze3A_24 {strides = array<i32>} : memref<1024x128xf32, #tpu.memory_space<vmem>>, vector<1024x16xf32>,
    %slice3A_28 = vector.extract_strided_slice %reshape3A {offsets = [0, 5, 0], sizes = [1024, 1, 16], strides = [1, 1, 1]} : vector<1024x8x16xf32> to vector<1024x1x16xf32>
    %squeeze3A_29 = vector.shape_cast %slice3A_28 : vector<1024x1x16xf32> to vector<1024x16xf32>
    %swap3A_30 = arith.constant 0 : index
    %swap3A_31 = arith.constant 80 : index
    %swap3A_32 = vector.load %arg3[%swap3A_30, %swap3A_31] : memref<1024x128xf32, #tpu.memory_space<vmem>>, vector<1024x16xf32>
    tpu.vector_store %arg3[%swap3A_30, %swap3A_31], %squeeze3A_29 {strides = array<i32>} : memref<1024x128xf32, #tpu.memory_space<vmem>>, vector<1024x16xf32>,
    %slice3A_33 = vector.extract_strided_slice %reshape3A {offsets = [0, 6, 0], sizes = [1024, 1, 16], strides = [1, 1, 1]} : vector<1024x8x16xf32> to vector<1024x1x16xf32>
    %squeeze3A_34 = vector.shape_cast %slice3A_33 : vector<1024x1x16xf32> to vector<1024x16xf32>
    %swap3A_35 = arith.constant 0 : index
    %swap3A_36 = arith.constant 96 : index
    %swap3A_37 = vector.load %arg3[%swap3A_35, %swap3A_36] : memref<1024x128xf32, #tpu.memory_space<vmem>>, vector<1024x16xf32>
    tpu.vector_store %arg3[%swap3A_35, %swap3A_36], %squeeze3A_34 {strides = array<i32>} : memref<1024x128xf32, #tpu.memory_space<vmem>>, vector<1024x16xf32>,
    %slice3A_38 = vector.extract_strided_slice %reshape3A {offsets = [0, 7, 0], sizes = [1024, 1, 16], strides = [1, 1, 1]} : vector<1024x8x16xf32> to vector<1024x1x16xf32>
    %squeeze3A_39 = vector.shape_cast %slice3A_38 : vector<1024x1x16xf32> to vector<1024x16xf32>
    %swap3A_40 = arith.constant 0 : index
    %swap3A_41 = arith.constant 112 : index
    %swap3A_42 = vector.load %arg3[%swap3A_40, %swap3A_41] : memref<1024x128xf32, #tpu.memory_space<vmem>>, vector<1024x16xf32>
    tpu.vector_store %arg3[%swap3A_40, %swap3A_41], %squeeze3A_39 {strides = array<i32>} : memref<1024x128xf32, #tpu.memory_space<vmem>>, vector<1024x16xf32>,
    return
  }
  func.func @transform_0(%arg0: i32) -> (i32, i32) {
    %c0_i32 = arith.constant 0 : i32
    %c0_i32_0 = arith.constant 0 : i32
    return %c0_i32, %arg0 : i32, i32
  }
  func.func @transform_1(%arg0: i32) -> (i32, i32) {
    %c0_i32 = arith.constant 0 : i32
    %c0_i32_0 = arith.constant 0 : i32
    %c0_i32_1 = arith.constant 0 : i32
    return %c0_i32, %c0_i32_0 : i32, i32
  }
  func.func @transform_2(%arg0: i32) -> (i32, i32) {
    %c0_i32 = arith.constant 0 : i32
    %c0_i32_0 = arith.constant 0 : i32
    return %arg0, %c0_i32 : i32, i32
  }
}

module attributes {stable_mosaic.version = 14 : i64} {
  func.func @_mlp_body(%arg0: i32, %arg1: memref<2048x128xf32, #tpu.memory_space<vmem>>, %arg2: memref<2048x128xf32, #tpu.memory_space<vmem>>, %arg3: memref<2048xi32, #tpu.memory_space<vmem>>, %arg4: memref<2048xi32, #tpu.memory_space<vmem>>, %arg5: memref<2048x8xf32, #tpu.memory_space<vmem>>, %arg6: memref<128x32xf32, #tpu.memory_space<vmem>>, %arg7: memref<128x32xf32, #tpu.memory_space<vmem>>, %arg8: memref<8x32xf32, #tpu.memory_space<vmem>>, %arg9: memref<1x32xf32, #tpu.memory_space<vmem>>, %arg10: memref<32x1xf32, #tpu.memory_space<vmem>>, %arg11: memref<2048xf32, #tpu.memory_space<vmem>>) attributes {dimension_semantics = [#tpu.dimension_semantics<arbitrary>], iteration_bounds = array<i64: 8>, scalar_prefetch = 0 : i64, scratch_operands = 0 : i64, tpu.core_type = #tpu.core_type<tc>, window_params = [{transform_indices = @transform_0, window_bounds = array<i64: 2048, 128>}, {transform_indices = @transform_1, window_bounds = array<i64: 2048, 128>}, {transform_indices = @transform_2, window_bounds = array<i64: 2048>}, {transform_indices = @transform_3, window_bounds = array<i64: 2048>}, {transform_indices = @transform_4, window_bounds = array<i64: 2048, 8>}, {pipeline_mode = #tpu.pipeline_mode<synchronous>, transform_indices = @transform_5, window_bounds = array<i64: 128, 32>}, {pipeline_mode = #tpu.pipeline_mode<synchronous>, transform_indices = @transform_6, window_bounds = array<i64: 128, 32>}, {pipeline_mode = #tpu.pipeline_mode<synchronous>, transform_indices = @transform_7, window_bounds = array<i64: 8, 32>}, {pipeline_mode = #tpu.pipeline_mode<synchronous>, transform_indices = @transform_8, window_bounds = array<i64: 1, 32>}, {pipeline_mode = #tpu.pipeline_mode<synchronous>, transform_indices = @transform_9, window_bounds = array<i64: 32, 1>}, {transform_indices = @transform_10, window_bounds = array<i64: 2048>}]} {
    %iota3A = tpu.iota {dimensions = array<i32: 1>} : vector<2048x128xi32>
    %shift_right_arithmetic3A = arith.constant 4 : i32
    %shift_right_arithmetic3A_0 = vector.broadcast %shift_right_arithmetic3A : i32 to vector<2048x128xi32>
    %shift_right_arithmetic3A_1 = arith.shrsi %iota3A, %shift_right_arithmetic3A_0 : vector<2048x128xi32>
    %get3A = arith.constant 0 : index
    %get3A_2 = vector.load %arg3[%get3A] : memref<2048xi32, #tpu.memory_space<vmem>>, vector<2048xi32>
    %and3A = arith.constant 7 : i32
    %and3A_3 = vector.broadcast %and3A : i32 to vector<2048xi32>
    %and3A_4 = arith.andi %get3A_2, %and3A_3 : vector<2048xi32>
    %broadcast_in_dim3A = vector.shape_cast %and3A_4 : vector<2048xi32> to vector<2048x1xi32>
    %broadcast_in_dim3A_5 = vector.broadcast %broadcast_in_dim3A : vector<2048x1xi32> to vector<2048x128xi32>
    %get3A_6 = arith.constant 0 : index
    %get3A_7 = vector.load %arg4[%get3A_6] : memref<2048xi32, #tpu.memory_space<vmem>>, vector<2048xi32>
    %and3A_8 = arith.constant 7 : i32
    %and3A_9 = vector.broadcast %and3A_8 : i32 to vector<2048xi32>
    %and3A_10 = arith.andi %get3A_7, %and3A_9 : vector<2048xi32>
    %broadcast_in_dim3A_11 = vector.shape_cast %and3A_10 : vector<2048xi32> to vector<2048x1xi32>
    %broadcast_in_dim3A_12 = vector.broadcast %broadcast_in_dim3A_11 : vector<2048x1xi32> to vector<2048x128xi32>
    %eq3A = arith.cmpi eq, %shift_right_arithmetic3A_1, %broadcast_in_dim3A_5 : vector<2048x128xi32>
    %get3A_13 = arith.constant 0 : index
    %get3A_14 = arith.constant 0 : index
    %get3A_15 = vector.load %arg1[%get3A_13, %get3A_14] : memref<2048x128xf32, #tpu.memory_space<vmem>>, vector<2048x128xf32>
    %jit3A = arith.constant 0.000000e+00 : f32
    %broadcast_in_dim3A_16 = vector.broadcast %jit3A : f32 to vector<2048x128xf32>
    %select_n3A = arith.select %eq3A, %get3A_15, %broadcast_in_dim3A_16 : vector<2048x128xi1>, vector<2048x128xf32>
    %eq3A_17 = arith.cmpi eq, %shift_right_arithmetic3A_1, %broadcast_in_dim3A_12 : vector<2048x128xi32>
    %get3A_18 = arith.constant 0 : index
    %get3A_19 = arith.constant 0 : index
    %get3A_20 = vector.load %arg2[%get3A_18, %get3A_19] : memref<2048x128xf32, #tpu.memory_space<vmem>>, vector<2048x128xf32>
    %jit3A_21 = arith.constant 0.000000e+00 : f32
    %broadcast_in_dim3A_22 = vector.broadcast %jit3A_21 : f32 to vector<2048x128xf32>
    %select_n3A_23 = arith.select %eq3A_17, %get3A_20, %broadcast_in_dim3A_22 : vector<2048x128xi1>, vector<2048x128xf32>
    %get3A_24 = arith.constant 0 : index
    %get3A_25 = arith.constant 0 : index
    %get3A_26 = vector.load %arg6[%get3A_24, %get3A_25] : memref<128x32xf32, #tpu.memory_space<vmem>>, vector<128x32xf32>
    %dot_general3A = arith.constant dense<0.000000e+00> : vector<2048x32xf32>
    %dot_general3A_27 = tpu.matmul %select_n3A, %get3A_26, %dot_general3A {dimension_numbers = #tpu.dot_dimension_numbers<[1], [0], [0], [1], [0, 0, 1, 1], [], []>, transpose_lhs_hint = false} : vector<2048x128xf32>, vector<128x32xf32>, vector<2048x32xf32> -> vector<2048x32xf32>
    %get3A_28 = arith.constant 0 : index
    %get3A_29 = arith.constant 0 : index
    %get3A_30 = vector.load %arg7[%get3A_28, %get3A_29] : memref<128x32xf32, #tpu.memory_space<vmem>>, vector<128x32xf32>
    %dot_general3A_31 = arith.constant dense<0.000000e+00> : vector<2048x32xf32>
    %dot_general3A_32 = tpu.matmul %select_n3A_23, %get3A_30, %dot_general3A_31 {dimension_numbers = #tpu.dot_dimension_numbers<[1], [0], [0], [1], [0, 0, 1, 1], [], []>, transpose_lhs_hint = false} : vector<2048x128xf32>, vector<128x32xf32>, vector<2048x32xf32> -> vector<2048x32xf32>
    %add3A = arith.addf %dot_general3A_27, %dot_general3A_32 : vector<2048x32xf32>
    %get3A_33 = arith.constant 0 : index
    %get3A_34 = arith.constant 0 : index
    %get3A_35 = vector.load %arg5[%get3A_33, %get3A_34] : memref<2048x8xf32, #tpu.memory_space<vmem>>, vector<2048x8xf32>
    %get3A_36 = arith.constant 0 : index
    %get3A_37 = arith.constant 0 : index
    %get3A_38 = vector.load %arg8[%get3A_36, %get3A_37] : memref<8x32xf32, #tpu.memory_space<vmem>>, vector<8x32xf32>
    %dot_general3A_39 = arith.constant dense<0.000000e+00> : vector<2048x32xf32>
    %dot_general3A_40 = tpu.matmul %get3A_35, %get3A_38, %dot_general3A_39 {dimension_numbers = #tpu.dot_dimension_numbers<[1], [0], [0], [1], [0, 0, 1, 1], [], []>, transpose_lhs_hint = false} : vector<2048x8xf32>, vector<8x32xf32>, vector<2048x32xf32> -> vector<2048x32xf32>
    %add3A_41 = arith.addf %add3A, %dot_general3A_40 : vector<2048x32xf32>
    %get3A_42 = arith.constant 0 : index
    %get3A_43 = arith.constant 0 : index
    %get3A_44 = vector.load %arg9[%get3A_42, %get3A_43] : memref<1x32xf32, #tpu.memory_space<vmem>>, vector<1x32xf32>
    %add3A_45 = vector.broadcast %get3A_44 : vector<1x32xf32> to vector<2048x32xf32>
    %add3A_46 = arith.addf %add3A_41, %add3A_45 : vector<2048x32xf32>
    %max3A = arith.constant 0.000000e+00 : f32
    %max3A_47 = vector.broadcast %max3A : f32 to vector<2048x32xf32>
    %max3A_48 = arith.maximumf %add3A_46, %max3A_47 : vector<2048x32xf32>
    %get3A_49 = arith.constant 0 : index
    %get3A_50 = arith.constant 0 : index
    %get3A_51 = vector.load %arg10[%get3A_49, %get3A_50] : memref<32x1xf32, #tpu.memory_space<vmem>>, vector<32x1xf32>
    %dot_general3A_52 = arith.constant dense<0.000000e+00> : vector<2048x1xf32>
    %dot_general3A_53 = tpu.matmul %max3A_48, %get3A_51, %dot_general3A_52 {dimension_numbers = #tpu.dot_dimension_numbers<[1], [0], [0], [1], [0, 0, 1, 1], [], []>, transpose_lhs_hint = false} : vector<2048x32xf32>, vector<32x1xf32>, vector<2048x1xf32> -> vector<2048x1xf32>
    %squeeze3A = vector.shape_cast %dot_general3A_53 : vector<2048x1xf32> to vector<2048xf32>
    %swap3A = arith.constant 0 : index
    %swap3A_54 = vector.load %arg11[%swap3A] : memref<2048xf32, #tpu.memory_space<vmem>>, vector<2048xf32>
    tpu.vector_store %arg11[%swap3A], %squeeze3A {strides = array<i32>} : memref<2048xf32, #tpu.memory_space<vmem>>, vector<2048xf32>,
    return
  }
  func.func @transform_0(%arg0: i32) -> (i32, i32) {
    %c0_i32 = arith.constant 0 : i32
    %c0_i32_0 = arith.constant 0 : i32
    return %arg0, %c0_i32 : i32, i32
  }
  func.func @transform_1(%arg0: i32) -> (i32, i32) {
    %c0_i32 = arith.constant 0 : i32
    %c0_i32_0 = arith.constant 0 : i32
    return %arg0, %c0_i32 : i32, i32
  }
  func.func @transform_2(%arg0: i32) -> i32 {
    %c0_i32 = arith.constant 0 : i32
    return %arg0 : i32
  }
  func.func @transform_3(%arg0: i32) -> i32 {
    %c0_i32 = arith.constant 0 : i32
    return %arg0 : i32
  }
  func.func @transform_4(%arg0: i32) -> (i32, i32) {
    %c0_i32 = arith.constant 0 : i32
    %c0_i32_0 = arith.constant 0 : i32
    return %arg0, %c0_i32 : i32, i32
  }
  func.func @transform_5(%arg0: i32) -> (i32, i32) {
    %c0_i32 = arith.constant 0 : i32
    %c0_i32_0 = arith.constant 0 : i32
    %c0_i32_1 = arith.constant 0 : i32
    return %c0_i32, %c0_i32_0 : i32, i32
  }
  func.func @transform_6(%arg0: i32) -> (i32, i32) {
    %c0_i32 = arith.constant 0 : i32
    %c0_i32_0 = arith.constant 0 : i32
    %c0_i32_1 = arith.constant 0 : i32
    return %c0_i32, %c0_i32_0 : i32, i32
  }
  func.func @transform_7(%arg0: i32) -> (i32, i32) {
    %c0_i32 = arith.constant 0 : i32
    %c0_i32_0 = arith.constant 0 : i32
    %c0_i32_1 = arith.constant 0 : i32
    return %c0_i32, %c0_i32_0 : i32, i32
  }
  func.func @transform_8(%arg0: i32) -> (i32, i32) {
    %c0_i32 = arith.constant 0 : i32
    %c0_i32_0 = arith.constant 0 : i32
    %c0_i32_1 = arith.constant 0 : i32
    return %c0_i32, %c0_i32_0 : i32, i32
  }
  func.func @transform_9(%arg0: i32) -> (i32, i32) {
    %c0_i32 = arith.constant 0 : i32
    %c0_i32_0 = arith.constant 0 : i32
    %c0_i32_1 = arith.constant 0 : i32
    return %c0_i32, %c0_i32_0 : i32, i32
  }
  func.func @transform_10(%arg0: i32) -> i32 {
    %c0_i32 = arith.constant 0 : i32
    return %arg0 : i32
  }
}

</mosaic_0001>

<sc_bundles>
// kernel: kernel.10.cloned.1.call-start
scs
__scs_entry_jumppad:
0x0: {  	(pc) =	sbr.rel $0x88, $3  }
0x1: {  	(tag) =	ssettag $0x0;
	lr =	simm.s32 $0x1  }
0x2: {  	[smem:$0x3F96] =	sst lr;
	_ =	strace $0xD0000000  }
0x3: {  	_ = 	snop  }
0x4: {  	_ = 	snop  }
0x5: {  	_ = 	snop  }
0x6: {  	_ = 	snop  }
0x7: {  	_ = 	snop  }
__scs_overlays_trampoline_lowered:
0x8: {  	[smem:$0x3FA5] =	sst s0  }
0x9: {  	[smem:$0x3FA6] =	sst s1  }
0xa: {  	[smem:$0x3FA7] =	sst s2  }
0xb: {  	[smem:$0x3FA8] =	sst s3  }
0xc: {  	[smem:$0x3FA9] =	sst s4  }
0xd: {  	[smem:$0x3FAA] =	sst s5  }
0xe: {  	[smem:$0x3FAB] =	sst s6  }
0xf: {  	[smem:$0x3FAC] =	sst s7  }
0x10: {  	[smem:$0x3FAD] =	sst s8  }
0x11: {  	[smem:$0x3FAE] =	sst s9;
	s0 =	simm.s32 @!p0 $0x0  }
0x12: {  	s1 =	sld [smem:$0x3F94];
	s0 =	simm.s32 @p0 $0x1  }
0x13: {  	[smem:$0x3FAF] =	sst s0;
	s0 =	simm.s32 @!p1 $0x0  }
0x14: {  	s2 =	sld [smem:$0x3F93];
	s0 =	simm.s32 @p1 $0x1  }
0x15: {  	[smem:$0x3FB0] =	sst s0;
	s0 =	simm.s32 @!p2 $0x0  }
0x16: {  	s3 =	sld [smem:$0x3FDB];
	s0 =	simm.s32 @p2 $0x1  }
0x17: {  	s4 =	simm.s32 $0x1BF5;
	[smem:$0x3FB2] =	sst s0  }
0x18: {  	s0 =	sld [smem:$0x3F95];
	_ =	swait.ge [sflag:s4], $0x0  }
0x19: {  	s7 =	sld [smem:$0x3F96]  }
0x1a: {  	s8 =	sadd.s32 $0xFFFFE003, lr  }
0x1b: {  	s9 =	sadd.s32 $0xFFFFFEF7, lr;
	s5 =	simm.s32 $0xFFFFFFFF;
	p2 =	slt.u32 s8, $0xFFFFF086  }
0x1c: {  	p1 =	slt.u32 s9, $0xF7A;
	s5 =	simm.s32 @!p2 $0x0  }
0x1d: {  	s5 =	simm.s32 @p1 $0x1;
	p0 =	seq.s32 s7, s2  }
0x1e: {  	s7 =	smul.u32 @!p0 $0xF7A, s2;
	p2 =	seq.s32 @!p0 s5, $0x0  }
0x1f: {  	s9 =	smul.u32 $0xF7A, s1;
	s8 =	simm.s32 @!p0 $0x1BF5;
	p2 =	por !p2, p0  }
0x20: {  	[sflag:s8] =	ssyncset.s32 @!p0 $0xFFFFF086;
	s6 =	sadd.s32 @!p0 s3, s7;
	s7 =	simm.s32 @!p0 $0x108  }
0x21: {  	s3 =	sadd.s32 s3, s9;
	s6 =	sadd.s32 @!p0 $0x88, s6;
	s7 =	simm.s32 @p2 $0x1082  }
0x22: {  	[simem:s7], [sflag:s8] =	dma.local @!p0 [hbm:s6], $0xF7A  }
0x23: {  	s9 =	sor.u32 $0xD0000000, s2;
	s6 =	simm.s32 $0x108;
	_ =	swait.ge @!p0 [sflag:s8], $0x0  }
0x24: {  	s3 =	sadd.s32 $0x88, s3;
	s6 =	simm.s32 @!p1 $0x1082;
	[sflag:s4] =	ssyncset.s32 $0xFFFFF086  }
0x25: {  	[simem:s6], [sflag:s4] =	dma.local [hbm:s3], $0xF7A  }
0x26: {  	[smem:$0x3F96] =	sst s1;
	(tag) =	ssettag s2;
	_ =	strace s9  }
0x27: {  	s1 =	sld [smem:$0x3FA6]  }
0x28: {  	s2 =	sld [smem:$0x3FA7]  }
0x29: {  	s4 =	sld [smem:$0x3FA9]  }
0x2a: {  	p0 =	seq.s32 s5, $0x0;
	s5 =	sld [smem:$0x3FAA]  }
0x2b: {  	s6 =	sld [smem:$0x3FAB]  }
0x2c: {  	s7 =	sld [smem:$0x3FAC]  }
0x2d: {  	s3 =	simm.s32 $0x108;
	s8 =	sld [smem:$0x3FAD]  }
0x2e: {  	s3 =	simm.s32 @!p0 $0x1082;
	s9 =	sld [smem:$0x3FAE]  }
0x2f: {  	lr =	sadd.s32 s0, s3;
	s0 =	sld [smem:$0x3FA5]  }
0x30: {  	s3 =	sld [smem:$0x3FA8]  }
0x31: {  	[smem:$0x3FB1] =	sst s10  }
0x32: {  	s10 =	sld [smem:$0x3FAF];
	_ =	sdelay $0x3  }
0x33: {  	p0 =	seq.s32 s10, $0x1;
	s10 =	sld [smem:$0x3FB1];
	_ =	sdelay $0x3  }
0x34: {  	[smem:$0x3FB1] =	sst s10  }
0x35: {  	s10 =	sld [smem:$0x3FB0];
	_ =	sdelay $0x3  }
0x36: {  	p1 =	seq.s32 s10, $0x1;
	s10 =	sld [smem:$0x3FB1];
	_ =	sdelay $0x3  }
0x37: {  	[smem:$0x3FB1] =	sst s10  }
0x38: {  	s10 =	sld [smem:$0x3FB2]  }
0x39: {  	_ = 	snop;
	(pc) =	sbr.ind lr, $3  }
0x3a: {  	_ = 	snop  }
0x3b: {  	_ = 	snop  }
0x3c: {  	p2 =	seq.s32 s10, $0x1;
	s10 =	sld [smem:$0x3FB1]  }
0x3d: {  	_ =	shalt  }
0x3e: {  	_ =	shalt  }
0x3f: {  	_ =	shalt  }
0x40: {  	_ =	shalt  }
0x41: {  	_ =	shalt  }
0x42: {  	_ =	shalt  }
0x43: {  	_ =	shalt  }
0x44: {  	_ =	shalt  }
0x45: {  	_ =	shalt  }
0x46: {  	_ =	shalt  }
0x47: {  	_ =	shalt  }
0x48: {  	_ =	shalt  }
0x49: {  	_ =	shalt  }
0x4a: {  	_ =	shalt  }
0x4b: {  	_ =	shalt  }
0x4c: {  	_ =	shalt  }
0x4d: {  	_ =	shalt  }
0x4e: {  	_ =	shalt  }
0x4f: {  	_ =	shalt  }
0x50: {  	_ =	shalt  }
0x51: {  	_ =	shalt  }
0x52: {  	_ =	shalt  }
0x53: {  	_ =	shalt  }
0x54: {  	_ =	shalt  }
0x55: {  	_ =	shalt  }
0x56: {  	_ =	shalt  }
0x57: {  	_ =	shalt  }
0x58: {  	_ =	shalt  }
0x59: {  	_ =	shalt  }
0x5a: {  	_ =	shalt  }
0x5b: {  	_ =	shalt  }
0x5c: {  	_ =	shalt  }
0x5d: {  	_ =	shalt  }
0x5e: {  	_ =	shalt  }
0x5f: {  	_ =	shalt  }
0x60: {  	_ =	shalt  }
0x61: {  	_ =	shalt  }
0x62: {  	_ =	shalt  }
0x63: {  	_ =	shalt  }
0x64: {  	_ =	shalt  }
0x65: {  	_ =	shalt  }
0x66: {  	_ =	shalt  }
0x67: {  	_ =	shalt  }
0x68: {  	_ =	shalt  }
0x69: {  	_ =	shalt  }
0x6a: {  	_ =	shalt  }
0x6b: {  	_ =	shalt  }
0x6c: {  	_ =	shalt  }
0x6d: {  	_ =	shalt  }
0x6e: {  	_ =	shalt  }
0x6f: {  	_ =	shalt  }
0x70: {  	_ =	shalt  }
0x71: {  	_ =	shalt  }
0x72: {  	_ =	shalt  }
0x73: {  	_ =	shalt  }
0x74: {  	_ =	shalt  }
0x75: {  	_ =	shalt  }
0x76: {  	_ =	shalt  }
0x77: {  	_ =	shalt  }
0x78: {  	_ =	shalt  }
0x79: {  	_ =	shalt  }
0x7a: {  	_ =	shalt  }
0x7b: {  	_ =	shalt  }
0x7c: {  	_ =	shalt  }
0x7d: {  	_ =	shalt  }
0x7e: {  	_ =	shalt  }
0x7f: {  	_ =	shalt  }
0x80: {  	_ =	shalt  }
0x81: {  	_ =	shalt  }
0x82: {  	_ =	shalt  }
0x83: {  	_ =	shalt  }
0x84: {  	_ =	shalt  }
0x85: {  	_ =	shalt  }
0x86: {  	_ =	shalt  }
0x87: {  	_ =	shalt  }
.Lfunc_end0:
.L_simem_size_0:
called_computation.1_lowered:
.L_overlay_start_0:
0x88: {  	s2 =	sld [smem:$0x3FD9]  }
0x89: {  	s3 =	sld [smem:$0x3FFE];
	_ =	sdelay $0x1  }
0x8a: {  	s1 =	srdreg.scid  }
0x8b: {  	s0 =	sand.u32 $0x1, s1  }
0x8c: {  	s17 =	sshll.u32 s0, $0xA;
	s2 =	sadd.s32 s3, s2  }
0x8d: {  	s2 =	sadd.s32 s2, s17  }
0x8e: {  	[smem:$0x3FBD] =	sst s2  }
0x8f: {  	_ = 	snop  }
0x90: {  	s2 =	sld [smem:$0x3FC8];
	(tm) =	ssettm $0x1  }
0x91: {  	s18 =	sld [smem:$0x3FFB];
	_ =	sdelay $0x3  }
0x92: {  	_ =	strace s18  }
0x93: {  	s3 =	sld [smem:$0x3FFC];
	_ =	sdelay $0x3  }
0x94: {  	_ =	strace s3  }
0x95: {  	s3 =	sld [smem:$0x3FFD];
	_ =	sdelay $0x3  }
0x96: {  	_ =	strace s3  }
0x97: {  	_ =	strace $0x8FFFFFFF  }
0x98: {  	s19 =	sld [smem:$0x3FDB];
	_ =	sdelay $0x1  }
0x99: {  	s4 =	simm.s32 $_scs_section_size  }
0x9a: {  	s5 =	simm.s32 $_size__tile_overlayer_lowered;
	s6 =	simm.s32 $_tile_overlayer_lowered  }
0x9b: {  	s22 =	simm.s32 $0x1BFF;
	s21 =	sshll.u32 s6, $0x1;
	s3 =	sadd.s32 s4, s19  }
0x9c: {  	s7 =	simm.s32 $0x0;
	s20 =	sshll.u32 s5, $0x1;
	s5 =	sadd.s32 s21, s3  }
0x9d: {  	[timem:s7], [sflag:s22] =	dma.local [hbm:s5], s20  }
0x9e: {  	_ =	swait.ge [sflag:s22], s20  }
0x9f: {  	s4 =	ssub.s32 $0x0, s20;
	[sflag:s22] =	ssyncset.done $0x0  }
0xa0: {  	[sflag:s22] =	ssyncadd.s32 s4;
	_ =	sdelay $0x1  }
0xa1: {  	s23 =	simm.s32 $0x1B8B  }
0xa2: {  	_ =	swait.ge [sflag:s23], $0x1  }
0xa3: {  	[sflag:s23] =	ssyncset.done $0x0  }
0xa4: {  	s25 =	simm.s32 $0x1B8E;
	s24 =	sld [smem:$0x3FFE];
	[sflag:s23] =	ssyncadd.s32 $0xFFFFFFFF  }
0xa5: {  	s26 =	simm.s32 $execute0_lowered;
	[smem:$0x3FD2] =	sst s25  }
0xa6: {  	s5 =	sshll.u32 s26, $0x1;
	_ =	strace $0x80000046;
	[dreg:$0x1] =	wrdreg $0xFFFFFFFF  }
0xa7: {  	s28 =	simm.s32 $_size_execute0_lowered;
	s3 =	sadd.s32 s3, s5;
	[dreg:$0x0] =	wrdreg $0x0  }
0xa8: {  	s5 =	sshll.u32 s28, $0x1;
	[dreg:$0x2] =	wrdreg s3  }
0xa9: {  	[dreg:$0x3] =	wrdreg s5  }
0xaa: {  	[dreg:$0x4] =	wrdreg $0xC0  }
0xab: {  	_ =	task [dreg:s7], $0x5FFFF  }
0xac: {  	[dreg:$0x1] =	wrdreg $0xFFFFFFFF  }
0xad: {  	[dreg:$0x0] =	wrdreg $0x60  }
0xae: {  	[dreg:$0x2] =	wrdreg s24  }
0xaf: {  	[dreg:$0x3] =	wrdreg s2  }
0xb0: {  	[dreg:$0x4] =	wrdreg $0xA  }
0xb1: {  	_ =	task.clear_ibuf [dreg:s7], $0x5FFFF;
	_ =	strace $0x90000046  }
0xb2: {  	s29 =	simm.s32 $0xA;
	_ =	strace $0x80000048  }
0xb3: {  	_ =	swait.ge [sflag:s29], $0x1  }
0xb4: {  	[sflag:s29] =	ssyncadd.s32 $0xFFFFFFFF  }
0xb5: {  	_ =	strace $0x90000048  }
0xb6: {  	_ =	sfence  }
0xb7: {  	s30 =	sld [smem:$0x0];
	_ =	sdelay $0x2  }
0xb8: {  	s31 =	sshll.u32 s1, $0xD;
	s1 =	sshrl.u32 s1, $0x2  }
0xb9: {  	s3 =	sand.u32 $0x4000, s31;
	s1 =	sadd.s32 s1, s30  }
0xba: {  	s0 =	sor.u32 s3, s0;
	s1 =	sshll.u32 s1, $0x11  }
0xbb: {  	s0 =	sor.u32 s1, s0  }
0xbc: {  	s0 =	sadd.s32 $0x8F2B, s0  }
0xbd: {  	[sflag:s0] =	ssyncadd.remote.s32 $0x1  }
0xbe: {  	_ =	sfence.sel $0xFFFF  }
0xbf: {  	[dreg:$0x0] =	wrdreg $0xFFFFFFFF;
	(pc) =	sbr.abs _section_cstart, $3  }
0xc0: {  	[dreg:$0x1] =	wrdreg $0xFFFFFFFF  }
0xc1: {  	_ =	task.clear_ibuf [dreg:s7], $0x2FFFF;
	_ =	strace $0x9FFFFFFF  }
0xc2: {  	(tm) =	ssettm $0x7FFFFFFF  }
0xc3: {  	_ =	shalt  }
tec
execute0_lowered:
.L_overlay_start_1:
0x0: {  	(tag) =	ssettag $0x1  }
0x1: {  	s4 =	rddreg [dreg:$0x0]  }
0x2: {  	s5 =	rddreg [dreg:$0x1]  }
0x3: {  	s0 =	rddreg [dreg:$0x2];
	s2 =	simm.s32 $0x0;
	s3 =	srdreg.scid  }
0x4: {  	s1 =	stileid.u32;
	s10 =	simm.s32 $0x200;
	s11 =	simm.s32 $0x400  }
0x5: {  	s12 =	simm.s32 $0x300;
	s13 =	simm.s32 $0x8400;
	s14 =	simm.s32 $0x1  }
0x6: {  	s15 =	simm.s32 $0x2;
	s16 =	simm.s32 $0x0;
	s6 =	sand.u32 $0x1, s3  }
0x7: {  	[smem:$0x7FF] =	sst s2;
	s7 =	sshll.u32 s1, $0xA;
	s8 =	sshll.u32 s6, $0x9  }
0x8: {  	s3 =	sadd.s32 $0x1E00, s4;
	s6 =	ssub.s32 $0x2, s6;
	s7 =	sor.u32 s8, s7  }
0x9: {  	_ =	strace $0x80000047;
	s9 =	sshrl.u32 s6, $0x1;
	s8 =	sshll.u32 s7, $0x4  }
0xa: {  	s7 =	sshrl.u32 s7, $0x3;
	s9 =	ssub.s32 s6, s9;
	s8 =	sadd.s32 s8, s4  }
0xb: {  	s4 =	sadd.s32 s5, s7;
	s7 =	smax.u32 s9, $0x1;
	s9 =	simm.s32 $0x100  }
0xc: {  	s5 =	sadd.s32 $0x1EA400, s8;
	s6 =	sadd.s32 $0x1EB400, s8;
	s8 =	simm.s32 $0x3  }
.LBB2_1:
0xd: {  	[tilespmem:s2], [sflag:$0x3] =	stream.linear.gather [hbm4b:s4+s2], $0x200, $0x38;
	[tilespmem:$0x10400] =	vst v63  }
0xe: {  	_ =	swait.ge [sflag:s8], $0x200  }
0xf: {  	[sflag:s8] =	ssyncset.done $0x0  }
0x10: {  	[sflag:s8] =	ssyncadd.s32 $0xFFFFFE00  }
0x11: {  	v0 =	vld [tilespmem:$0x0]  }
0x12: {  	v1 =	vld [tilespmem:$0x10]  }
0x13: {  	v2 =	vld [tilespmem:$0x20]  }
0x14: {  	v3 =	vld [tilespmem:$0x30]  }
0x15: {  	v4 =	vld [tilespmem:$0x40]  }
0x16: {  	v5 =	vld [tilespmem:$0x50];
	v0 =	vshra.s32 v0, $0x3  }
0x17: {  	v40 =	vld [tilespmem:$0x60];
	v39 =	vshra.s32 v1, $0x3;
	[tilespmem:$0x200] =	vst v0  }
0x18: {  	v42 =	vld [tilespmem:$0x70];
	v41 =	vshra.s32 v2, $0x3;
	[tilespmem:$0x210] =	vst v39  }
0x19: {  	v44 =	vld [tilespmem:$0x80];
	v43 =	vshra.s32 v3, $0x3;
	[tilespmem:$0x220] =	vst v41  }
0x1a: {  	v46 =	vld [tilespmem:$0x90];
	v45 =	vshra.s32 v4, $0x3;
	[tilespmem:$0x230] =	vst v43  }
0x1b: {  	v48 =	vld [tilespmem:$0xA0];
	v47 =	vshra.s32 v5, $0x3;
	[tilespmem:$0x240] =	vst v45  }
0x1c: {  	v50 =	vld [tilespmem:$0xB0];
	v49 =	vshra.s32 v40, $0x3;
	[tilespmem:$0x250] =	vst v47  }
0x1d: {  	v52 =	vld [tilespmem:$0xC0];
	v51 =	vshra.s32 v42, $0x3;
	[tilespmem:$0x260] =	vst v49  }
0x1e: {  	v54 =	vld [tilespmem:$0xD0];
	v53 =	vshra.s32 v44, $0x3;
	[tilespmem:$0x270] =	vst v51  }
0x1f: {  	v56 =	vld [tilespmem:$0xE0];
	v55 =	vshra.s32 v46, $0x3;
	[tilespmem:$0x280] =	vst v53  }
0x20: {  	v58 =	vld [tilespmem:$0xF0];
	v57 =	vshra.s32 v48, $0x3;
	[tilespmem:$0x290] =	vst v55  }
0x21: {  	v59 =	vshra.s32 v50, $0x3;
	[tilespmem:$0x2A0] =	vst v57  }
0x22: {  	v60 =	vshra.s32 v52, $0x3;
	[tilespmem:$0x2B0] =	vst v59  }
0x23: {  	v61 =	vshra.s32 v54, $0x3;
	[tilespmem:$0x2C0] =	vst v60  }
0x24: {  	v62 =	vshra.s32 v56, $0x3;
	[tilespmem:$0x2D0] =	vst v61  }
0x25: {  	v63 =	vshra.s32 v58, $0x3;
	[tilespmem:$0x2E0] =	vst v62  }
0x26: {  	s17 =	sand.u32 $0xF0, s2;
	[tilespmem:$0x2F0] =	vst v63  }
0x27: {  	v0 =	vld [tilespmem:s17+$0x100];
	_ =	sdelay $0x4  }
0x28: {  	s31 =	simm.s32 $0x10;
	v0 =	vshra.s32 v0, $0x3  }
0x29: {  	s18 =	simm.s32 $0x20;
	s19 =	sand.u32 $0xF0, s31;
	s17 =	simm.s32 $0x300;
	[tilespmem:s12+$0x0] =	vst v0  }
.LBB2_2:
0x2a: {  	p0 =	sne.s32 s18, $0xF0;
	v0 =	vld [tilespmem:s19+$0x100];
	_ =	sdelay $0x1  }
.Ltmp0:
0x2b: {  	(pc) =	sbr.rel @p0 .LBB2_2-.Ltmp0, $3  }
0x2c: {  	_ =	sdelay $0x1  }
0x2d: {  	s17 =	sadd.s32 $0x10, s17;
	v0 =	vshra.s32 v0, $0x3  }
0x2e: {  	s19 =	sand.u32 $0xF0, s18;
	s18 =	sadd.s32 $0x10, s18;
	[tilespmem:s17+$0x0] =	vst v0  }
0x2f: {  	v0 =	vld [tilespmem:s19+$0x100];
	_ =	sdelay $0x4  }
0x30: {  	s17 =	sadd.s32 $0x10, s17;
	v0 =	vshra.s32 v0, $0x3  }
0x31: {  	[tilespmem:s17+$0x0] =	vst v0  }
0x32: {  	[tilespmem:s11], [sflag:$0x1] =	stream.indirect.gather [hbm4b:s3+s9], $0x80, s10, s9, $0xb8;
	[tilespmem:$0x10400] =	vst v63  }
0x33: {  	_ = 	snop  }
0x34: {  	[tilespmem:s13], [sflag:$0x2] =	stream.indirect.gather [hbm4b:s3+s9], $0x80, s12, s9, $0xb8;
	[tilespmem:$0x10400] =	vst v63  }
0x35: {  	_ =	swait.ge [sflag:s14], $0x8000  }
0x36: {  	[sflag:s14] =	ssyncset.done $0x0  }
0x37: {  	[sflag:s14] =	ssyncadd.s32 $0xFFFF8000  }
0x38: {  	[hbm4b:s5+s2] =	stream.linear.scatter [tilespmem:s11], [sflag:$0x3], $0x8000, $0x38;
	[tilespmem:$0x10400] =	vst v63  }
0x39: {  	_ =	swait.ge [sflag:s8], $0x8000  }
0x3a: {  	[sflag:s8] =	ssyncset.done $0x0  }
0x3b: {  	[sflag:s8] =	ssyncadd.s32 $0xFFFF8000  }
0x3c: {  	s16 =	sadd.s32 $0x1, s16;
	_ =	swait.ge [sflag:s15], $0x8000  }
0x3d: {  	p0 =	sne.s32 s16, s7;
	[sflag:s15] =	ssyncset.done $0x0  }
.Ltmp1:
0x3e: {  	[sflag:s15] =	ssyncadd.s32 $0xFFFF8000;
	(pc) =	sbr.rel @p0 .LBB2_1-.Ltmp1, $4  }
0x3f: {  	[hbm4b:s6+s2] =	stream.linear.scatter [tilespmem:s13], [sflag:$0x3], $0x8000, $0x38;
	[tilespmem:$0x10400] =	vst v63  }
0x40: {  	_ =	swait.ge [sflag:s8], $0x8000  }
0x41: {  	[sflag:s8] =	ssyncset.done $0x0  }
0x42: {  	[sflag:s8] =	ssyncadd.s32 $0xFFFF8000  }
0x43: {  	_ =	sfence.sel $0x180000  }
0x44: {  	[bflag:$0x0] =	sbarrier.arrive $0xFFFF  }
0x45: {  	p0 =	sne.s32 s1, $0x0;
	_ =	strace $0x90000047  }
0x46: {  	s0 =	sadd.s32 @!p0 $0x100000, s0;
	[bflag:$0x2] =	sbarrier.arrive $0xFFFF  }
0x47: {  	[sflag:s0] =	ssyncadd.tile.s32 @!p0 $0x1;
	_ =	shalt  }
.Lfunc_end2:
_tile_overlayer_lowered:
.L_overlay_start_2:
0x48: {  	(tag) =	ssettag $0x2  }
0x49: {  	s0 =	rddreg [dreg:$0x0];
	s2 =	stileid.u32  }
0x4a: {  	s1 =	rddreg [dreg:$0x1];
	p0 =	sne.s32 s2, $0x0  }
0x4b: {  	s3 =	rddreg [dreg:$0x2];
	[bflag:$0x3] =	sbarrier.arrive $0xFFFF;
	s2 =	simm.s32 @!p0 $0x1C03  }
0x4c: {  	[timem:s3], [sflag:s2] =	dma.local @!p0 [hbm:s0], s1  }
0x4d: {  	s0 =	simm.s32 @!p0 $0x3  }
0x4e: {  	_ =	swait.ge @!p0 [sflag:s0], s1  }
0x4f: {  	s1 =	ssub.s32 @!p0 $0x0, s1;
	[sflag:s0] =	ssyncset.done @!p0 $0x0  }
0x50: {  	[sflag:s0] =	ssyncadd.s32 @!p0 s1  }
0x51: {  	[bflag:$0x3] =	sbarrier.arrive $0xFFFF  }
0x52: {  	_ =	shalt  }

// kernel: kernel.7.cloned.1.call-start
scs
__scs_entry_jumppad:
0x0: {  	(pc) =	sbr.rel $0x88, $3  }
0x1: {  	(tag) =	ssettag $0x0;
	lr =	simm.s32 $0x1  }
0x2: {  	[smem:$0x3F96] =	sst lr;
	_ =	strace $0xD0000000  }
0x3: {  	_ = 	snop  }
0x4: {  	_ = 	snop  }
0x5: {  	_ = 	snop  }
0x6: {  	_ = 	snop  }
0x7: {  	_ = 	snop  }
__scs_overlays_trampoline_lowered:
0x8: {  	[smem:$0x3FA5] =	sst s0  }
0x9: {  	[smem:$0x3FA6] =	sst s1  }
0xa: {  	[smem:$0x3FA7] =	sst s2  }
0xb: {  	[smem:$0x3FA8] =	sst s3  }
0xc: {  	[smem:$0x3FA9] =	sst s4  }
0xd: {  	[smem:$0x3FAA] =	sst s5  }
0xe: {  	[smem:$0x3FAB] =	sst s6  }
0xf: {  	[smem:$0x3FAC] =	sst s7  }
0x10: {  	[smem:$0x3FAD] =	sst s8  }
0x11: {  	[smem:$0x3FAE] =	sst s9;
	s0 =	simm.s32 @!p0 $0x0  }
0x12: {  	s1 =	sld [smem:$0x3F94];
	s0 =	simm.s32 @p0 $0x1  }
0x13: {  	[smem:$0x3FAF] =	sst s0;
	s0 =	simm.s32 @!p1 $0x0  }
0x14: {  	s2 =	sld [smem:$0x3F93];
	s0 =	simm.s32 @p1 $0x1  }
0x15: {  	[smem:$0x3FB0] =	sst s0;
	s0 =	simm.s32 @!p2 $0x0  }
0x16: {  	s3 =	sld [smem:$0x3FDB];
	s0 =	simm.s32 @p2 $0x1  }
0x17: {  	s4 =	simm.s32 $0x1BF5;
	[smem:$0x3FB2] =	sst s0  }
0x18: {  	s0 =	sld [smem:$0x3F95];
	_ =	swait.ge [sflag:s4], $0x0  }
0x19: {  	s7 =	sld [smem:$0x3F96]  }
0x1a: {  	s8 =	sadd.s32 $0xFFFFE003, lr  }
0x1b: {  	s9 =	sadd.s32 $0xFFFFFEF7, lr;
	s5 =	simm.s32 $0xFFFFFFFF;
	p2 =	slt.u32 s8, $0xFFFFF086  }
0x1c: {  	p1 =	slt.u32 s9, $0xF7A;
	s5 =	simm.s32 @!p2 $0x0  }
0x1d: {  	s5 =	simm.s32 @p1 $0x1;
	p0 =	seq.s32 s7, s2  }
0x1e: {  	s7 =	smul.u32 @!p0 $0xF7A, s2;
	p2 =	seq.s32 @!p0 s5, $0x0  }
0x1f: {  	s9 =	smul.u32 $0xF7A, s1;
	s8 =	simm.s32 @!p0 $0x1BF5;
	p2 =	por !p2, p0  }
0x20: {  	[sflag:s8] =	ssyncset.s32 @!p0 $0xFFFFF086;
	s6 =	sadd.s32 @!p0 s3, s7;
	s7 =	simm.s32 @!p0 $0x108  }
0x21: {  	s3 =	sadd.s32 s3, s9;
	s6 =	sadd.s32 @!p0 $0x88, s6;
	s7 =	simm.s32 @p2 $0x1082  }
0x22: {  	[simem:s7], [sflag:s8] =	dma.local @!p0 [hbm:s6], $0xF7A  }
0x23: {  	s9 =	sor.u32 $0xD0000000, s2;
	s6 =	simm.s32 $0x108;
	_ =	swait.ge @!p0 [sflag:s8], $0x0  }
0x24: {  	s3 =	sadd.s32 $0x88, s3;
	s6 =	simm.s32 @!p1 $0x1082;
	[sflag:s4] =	ssyncset.s32 $0xFFFFF086  }
0x25: {  	[simem:s6], [sflag:s4] =	dma.local [hbm:s3], $0xF7A  }
0x26: {  	[smem:$0x3F96] =	sst s1;
	(tag) =	ssettag s2;
	_ =	strace s9  }
0x27: {  	s1 =	sld [smem:$0x3FA6]  }
0x28: {  	s2 =	sld [smem:$0x3FA7]  }
0x29: {  	s4 =	sld [smem:$0x3FA9]  }
0x2a: {  	p0 =	seq.s32 s5, $0x0;
	s5 =	sld [smem:$0x3FAA]  }
0x2b: {  	s6 =	sld [smem:$0x3FAB]  }
0x2c: {  	s7 =	sld [smem:$0x3FAC]  }
0x2d: {  	s3 =	simm.s32 $0x108;
	s8 =	sld [smem:$0x3FAD]  }
0x2e: {  	s3 =	simm.s32 @!p0 $0x1082;
	s9 =	sld [smem:$0x3FAE]  }
0x2f: {  	lr =	sadd.s32 s0, s3;
	s0 =	sld [smem:$0x3FA5]  }
0x30: {  	s3 =	sld [smem:$0x3FA8]  }
0x31: {  	[smem:$0x3FB1] =	sst s10  }
0x32: {  	s10 =	sld [smem:$0x3FAF];
	_ =	sdelay $0x3  }
0x33: {  	p0 =	seq.s32 s10, $0x1;
	s10 =	sld [smem:$0x3FB1];
	_ =	sdelay $0x3  }
0x34: {  	[smem:$0x3FB1] =	sst s10  }
0x35: {  	s10 =	sld [smem:$0x3FB0];
	_ =	sdelay $0x3  }
0x36: {  	p1 =	seq.s32 s10, $0x1;
	s10 =	sld [smem:$0x3FB1];
	_ =	sdelay $0x3  }
0x37: {  	[smem:$0x3FB1] =	sst s10  }
0x38: {  	s10 =	sld [smem:$0x3FB2]  }
0x39: {  	_ = 	snop;
	(pc) =	sbr.ind lr, $3  }
0x3a: {  	_ = 	snop  }
0x3b: {  	_ = 	snop  }
0x3c: {  	p2 =	seq.s32 s10, $0x1;
	s10 =	sld [smem:$0x3FB1]  }
0x3d: {  	_ =	shalt  }
0x3e: {  	_ =	shalt  }
0x3f: {  	_ =	shalt  }
0x40: {  	_ =	shalt  }
0x41: {  	_ =	shalt  }
0x42: {  	_ =	shalt  }
0x43: {  	_ =	shalt  }
0x44: {  	_ =	shalt  }
0x45: {  	_ =	shalt  }
0x46: {  	_ =	shalt  }
0x47: {  	_ =	shalt  }
0x48: {  	_ =	shalt  }
0x49: {  	_ =	shalt  }
0x4a: {  	_ =	shalt  }
0x4b: {  	_ =	shalt  }
0x4c: {  	_ =	shalt  }
0x4d: {  	_ =	shalt  }
0x4e: {  	_ =	shalt  }
0x4f: {  	_ =	shalt  }
0x50: {  	_ =	shalt  }
0x51: {  	_ =	shalt  }
0x52: {  	_ =	shalt  }
0x53: {  	_ =	shalt  }
0x54: {  	_ =	shalt  }
0x55: {  	_ =	shalt  }
0x56: {  	_ =	shalt  }
0x57: {  	_ =	shalt  }
0x58: {  	_ =	shalt  }
0x59: {  	_ =	shalt  }
0x5a: {  	_ =	shalt  }
0x5b: {  	_ =	shalt  }
0x5c: {  	_ =	shalt  }
0x5d: {  	_ =	shalt  }
0x5e: {  	_ =	shalt  }
0x5f: {  	_ =	shalt  }
0x60: {  	_ =	shalt  }
0x61: {  	_ =	shalt  }
0x62: {  	_ =	shalt  }
0x63: {  	_ =	shalt  }
0x64: {  	_ =	shalt  }
0x65: {  	_ =	shalt  }
0x66: {  	_ =	shalt  }
0x67: {  	_ =	shalt  }
0x68: {  	_ =	shalt  }
0x69: {  	_ =	shalt  }
0x6a: {  	_ =	shalt  }
0x6b: {  	_ =	shalt  }
0x6c: {  	_ =	shalt  }
0x6d: {  	_ =	shalt  }
0x6e: {  	_ =	shalt  }
0x6f: {  	_ =	shalt  }
0x70: {  	_ =	shalt  }
0x71: {  	_ =	shalt  }
0x72: {  	_ =	shalt  }
0x73: {  	_ =	shalt  }
0x74: {  	_ =	shalt  }
0x75: {  	_ =	shalt  }
0x76: {  	_ =	shalt  }
0x77: {  	_ =	shalt  }
0x78: {  	_ =	shalt  }
0x79: {  	_ =	shalt  }
0x7a: {  	_ =	shalt  }
0x7b: {  	_ =	shalt  }
0x7c: {  	_ =	shalt  }
0x7d: {  	_ =	shalt  }
0x7e: {  	_ =	shalt  }
0x7f: {  	_ =	shalt  }
0x80: {  	_ =	shalt  }
0x81: {  	_ =	shalt  }
0x82: {  	_ =	shalt  }
0x83: {  	_ =	shalt  }
0x84: {  	_ =	shalt  }
0x85: {  	_ =	shalt  }
0x86: {  	_ =	shalt  }
0x87: {  	_ =	shalt  }
.Lfunc_end0:
.L_simem_size_0:
called_computation_lowered:
.L_overlay_start_0:
0x88: {  	s2 =	sld [smem:$0x3FD9]  }
0x89: {  	s3 =	sld [smem:$0x3FFE];
	_ =	sdelay $0x1  }
0x8a: {  	s1 =	srdreg.scid  }
0x8b: {  	s0 =	sand.u32 $0x1, s1  }
0x8c: {  	s17 =	sshll.u32 s0, $0xA;
	s2 =	sadd.s32 s3, s2  }
0x8d: {  	s2 =	sadd.s32 s2, s17  }
0x8e: {  	[smem:$0x3FBD] =	sst s2  }
0x8f: {  	_ = 	snop  }
0x90: {  	s18 =	sld [smem:$0x3FC9];
	(tm) =	ssettm $0x1  }
0x91: {  	s19 =	sld [smem:$0x3FFB];
	_ =	sdelay $0x3  }
0x92: {  	_ =	strace s19  }
0x93: {  	s2 =	sld [smem:$0x3FFC];
	_ =	sdelay $0x3  }
0x94: {  	_ =	strace s2  }
0x95: {  	s2 =	sld [smem:$0x3FFD];
	_ =	sdelay $0x3  }
0x96: {  	_ =	strace s2  }
0x97: {  	_ =	strace $0x8FFFFFFF  }
0x98: {  	s20 =	sld [smem:$0x3FDB];
	_ =	sdelay $0x1  }
0x99: {  	s4 =	simm.s32 $_scs_section_size  }
0x9a: {  	s5 =	simm.s32 $_size__tile_overlayer_lowered;
	s6 =	simm.s32 $_tile_overlayer_lowered  }
0x9b: {  	s7 =	simm.s32 $0x1BFF;
	s21 =	sshll.u32 s6, $0x1;
	s4 =	sadd.s32 s4, s20  }
0x9c: {  	s22 =	simm.s32 $0x0;
	s5 =	sshll.u32 s5, $0x1;
	s6 =	sadd.s32 s21, s4  }
0x9d: {  	[timem:s22], [sflag:s7] =	dma.local [hbm:s6], s5  }
0x9e: {  	_ =	swait.ge [sflag:s7], s5  }
0x9f: {  	s5 =	ssub.s32 $0x0, s5;
	[sflag:s7] =	ssyncset.done $0x0  }
0xa0: {  	[sflag:s7] =	ssyncadd.s32 s5;
	_ =	sdelay $0x1  }
0xa1: {  	s23 =	simm.s32 $0x1B8B  }
0xa2: {  	_ =	swait.ge [sflag:s23], $0x1  }
0xa3: {  	[sflag:s23] =	ssyncset.done $0x0  }
0xa4: {  	[sflag:s23] =	ssyncadd.s32 $0xFFFFFFFF  }
0xa5: {  	s5 =	sld [smem:$0x0]  }
0xa6: {  	s6 =	sand.u32 $0xFFFFFFFE, s1  }
0xa7: {  	p0 =	sne.s32 s1, s6  }
0xa8: {  	s6 =	sshll.u32 @p0 s6, $0xE  }
0xa9: {  	s6 =	sadd.s32 @p0 $0x11B8D, s6;
	s7 =	sshll.u32 @p0 s5, $0x11  }
0xaa: {  	s6 =	sor.u32 @p0 s7, s6  }
0xab: {  	[sflag:s6] =	ssyncadd.remote.s32 @p0 $0x1;
	_ =	sdelay $0x1  }
0xac: {  	s6 =	simm.s32 @p0 $0x1B8D  }
0xad: {  	_ =	swait.eq @p0 [sflag:s6], $0x1  }
0xae: {  	[sflag:s6] =	ssyncadd.s32 @p0 $0xFFFFFFFF  }
0xaf: {  	s7 =	sshll.u32 @!p0 s1, $0xE  }
0xb0: {  	s7 =	sor.u32 @!p0 $0x4000, s7;
	s6 =	simm.s32 @!p0 $0x1B8D  }
0xb1: {  	s5 =	sshll.u32 @!p0 s5, $0x11;
	s7 =	sadd.s32 @!p0 $0x11B8D, s7;
	_ =	swait.eq @!p0 [sflag:s6], $0x1  }
0xb2: {  	s5 =	sor.u32 @!p0 s5, s7;
	[sflag:s6] =	ssyncadd.s32 @!p0 $0xFFFFFFFF  }
0xb3: {  	s25 =	simm.s32 $0x1B8E;
	s24 =	sld [smem:$0x3FFE];
	[sflag:s5] =	ssyncadd.remote.s32 @!p0 $0x1  }
0xb4: {  	s26 =	simm.s32 $execute0_lowered;
	[smem:$0x3FD2] =	sst s25  }
0xb5: {  	s6 =	sshll.u32 s26, $0x1;
	_ =	strace $0x80000049;
	[dreg:$0x1] =	wrdreg $0xFFFFFFFF  }
0xb6: {  	s28 =	simm.s32 $_size_execute0_lowered;
	s4 =	sadd.s32 s4, s6;
	[dreg:$0x0] =	wrdreg $0x0  }
0xb7: {  	s6 =	sshll.u32 s28, $0x1;
	[dreg:$0x2] =	wrdreg s4  }
0xb8: {  	[dreg:$0x3] =	wrdreg s6  }
0xb9: {  	[dreg:$0x4] =	wrdreg $0xC0  }
0xba: {  	_ =	task [dreg:s22], $0x5FFFF  }
0xbb: {  	[dreg:$0x1] =	wrdreg $0xFFFFFFFF  }
0xbc: {  	[dreg:$0x0] =	wrdreg $0x60  }
0xbd: {  	[dreg:$0x2] =	wrdreg s24  }
0xbe: {  	[dreg:$0x3] =	wrdreg s18  }
0xbf: {  	[dreg:$0x4] =	wrdreg $0x9  }
0xc0: {  	_ =	task.clear_ibuf [dreg:s22], $0x5FFFF;
	_ =	strace $0x90000049  }
0xc1: {  	s29 =	simm.s32 $0x9;
	_ =	strace $0x8000004B  }
0xc2: {  	_ =	swait.ge [sflag:s29], $0x1  }
0xc3: {  	[sflag:s29] =	ssyncadd.s32 $0xFFFFFFFF  }
0xc4: {  	_ =	strace $0x9000004B  }
0xc5: {  	_ =	sfence  }
0xc6: {  	s30 =	sld [smem:$0x0];
	_ =	sdelay $0x2  }
0xc7: {  	s31 =	sshll.u32 s1, $0xD;
	s1 =	sshrl.u32 s1, $0x2  }
0xc8: {  	s4 =	sand.u32 $0x4000, s31;
	s1 =	sadd.s32 s1, s30  }
0xc9: {  	s0 =	sor.u32 s4, s0;
	s1 =	sshll.u32 s1, $0x11  }
0xca: {  	s0 =	sor.u32 s1, s0  }
0xcb: {  	s0 =	sadd.s32 $0x8F2B, s0  }
0xcc: {  	[sflag:s0] =	ssyncadd.remote.s32 $0x1  }
0xcd: {  	_ =	sfence.sel $0xFFFF  }
0xce: {  	[dreg:$0x0] =	wrdreg $0xFFFFFFFF;
	(pc) =	sbr.abs _section_cstart, $3  }
0xcf: {  	[dreg:$0x1] =	wrdreg $0xFFFFFFFF  }
0xd0: {  	_ =	task.clear_ibuf [dreg:s22], $0x2FFFF;
	_ =	strace $0x9FFFFFFF  }
0xd1: {  	(tm) =	ssettm $0x7FFFFFFF  }
tec
execute0_lowered:
.L_overlay_start_1:
0x0: {  	(tag) =	ssettag $0x1  }
0x1: {  	s4 =	rddreg [dreg:$0x0]  }
0x2: {  	s5 =	rddreg [dreg:$0x1]  }
0x3: {  	s0 =	rddreg [dreg:$0x2];
	s2 =	simm.s32 $0x0;
	s3 =	srdreg.scid  }
0x4: {  	s1 =	stileid.u32;
	s10 =	simm.s32 $0x200;
	s11 =	simm.s32 $0x400  }
0x5: {  	s12 =	simm.s32 $0x300;
	s13 =	simm.s32 $0x8400;
	s14 =	simm.s32 $0x1  }
0x6: {  	s15 =	simm.s32 $0x2;
	s16 =	simm.s32 $0x0;
	s6 =	sand.u32 $0x1, s3  }
0x7: {  	[smem:$0x7FF] =	sst s2;
	s7 =	sshll.u32 s1, $0xA;
	s8 =	sshll.u32 s6, $0x9  }
0x8: {  	s3 =	sadd.s32 $0x22A400, s4;
	s6 =	ssub.s32 $0x2, s6;
	s7 =	sor.u32 s8, s7  }
0x9: {  	_ =	strace $0x8000004A;
	s9 =	sshrl.u32 s6, $0x1;
	s8 =	sshll.u32 s7, $0x4  }
0xa: {  	s7 =	sshrl.u32 s7, $0x3;
	s9 =	ssub.s32 s6, s9;
	s8 =	sadd.s32 s8, s4  }
0xb: {  	s4 =	sadd.s32 s5, s7;
	s7 =	smax.u32 s9, $0x1;
	s9 =	simm.s32 $0x100  }
0xc: {  	s5 =	sadd.s32 $0x412A00, s8;
	s6 =	sadd.s32 $0x413A00, s8;
	s8 =	simm.s32 $0x3  }
.LBB2_1:
0xd: {  	[tilespmem:s2], [sflag:$0x3] =	stream.linear.gather [hbm4b:s4+s2], $0x200, $0x38;
	[tilespmem:$0x10400] =	vst v63  }
0xe: {  	_ =	swait.ge [sflag:s8], $0x200  }
0xf: {  	[sflag:s8] =	ssyncset.done $0x0  }
0x10: {  	[sflag:s8] =	ssyncadd.s32 $0xFFFFFE00  }
0x11: {  	v0 =	vld [tilespmem:$0x0]  }
0x12: {  	v1 =	vld [tilespmem:$0x10]  }
0x13: {  	v2 =	vld [tilespmem:$0x20]  }
0x14: {  	v3 =	vld [tilespmem:$0x30]  }
0x15: {  	v4 =	vld [tilespmem:$0x40]  }
0x16: {  	v5 =	vld [tilespmem:$0x50];
	v0 =	vshra.s32 v0, $0x3  }
0x17: {  	v40 =	vld [tilespmem:$0x60];
	v39 =	vshra.s32 v1, $0x3;
	[tilespmem:$0x200] =	vst v0  }
0x18: {  	v42 =	vld [tilespmem:$0x70];
	v41 =	vshra.s32 v2, $0x3;
	[tilespmem:$0x210] =	vst v39  }
0x19: {  	v44 =	vld [tilespmem:$0x80];
	v43 =	vshra.s32 v3, $0x3;
	[tilespmem:$0x220] =	vst v41  }
0x1a: {  	v46 =	vld [tilespmem:$0x90];
	v45 =	vshra.s32 v4, $0x3;
	[tilespmem:$0x230] =	vst v43  }
0x1b: {  	v48 =	vld [tilespmem:$0xA0];
	v47 =	vshra.s32 v5, $0x3;
	[tilespmem:$0x240] =	vst v45  }
0x1c: {  	v50 =	vld [tilespmem:$0xB0];
	v49 =	vshra.s32 v40, $0x3;
	[tilespmem:$0x250] =	vst v47  }
0x1d: {  	v52 =	vld [tilespmem:$0xC0];
	v51 =	vshra.s32 v42, $0x3;
	[tilespmem:$0x260] =	vst v49  }
0x1e: {  	v54 =	vld [tilespmem:$0xD0];
	v53 =	vshra.s32 v44, $0x3;
	[tilespmem:$0x270] =	vst v51  }
0x1f: {  	v56 =	vld [tilespmem:$0xE0];
	v55 =	vshra.s32 v46, $0x3;
	[tilespmem:$0x280] =	vst v53  }
0x20: {  	v58 =	vld [tilespmem:$0xF0];
	v57 =	vshra.s32 v48, $0x3;
	[tilespmem:$0x290] =	vst v55  }
0x21: {  	v59 =	vshra.s32 v50, $0x3;
	[tilespmem:$0x2A0] =	vst v57  }
0x22: {  	v60 =	vshra.s32 v52, $0x3;
	[tilespmem:$0x2B0] =	vst v59  }
0x23: {  	v61 =	vshra.s32 v54, $0x3;
	[tilespmem:$0x2C0] =	vst v60  }
0x24: {  	v62 =	vshra.s32 v56, $0x3;
	[tilespmem:$0x2D0] =	vst v61  }
0x25: {  	v63 =	vshra.s32 v58, $0x3;
	[tilespmem:$0x2E0] =	vst v62  }
0x26: {  	s17 =	sand.u32 $0xF0, s2;
	[tilespmem:$0x2F0] =	vst v63  }
0x27: {  	v0 =	vld [tilespmem:s17+$0x100];
	_ =	sdelay $0x4  }
0x28: {  	s31 =	simm.s32 $0x10;
	v0 =	vshra.s32 v0, $0x3  }
0x29: {  	s18 =	simm.s32 $0x20;
	s19 =	sand.u32 $0xF0, s31;
	s17 =	simm.s32 $0x300;
	[tilespmem:s12+$0x0] =	vst v0  }
.LBB2_2:
0x2a: {  	p0 =	sne.s32 s18, $0xF0;
	v0 =	vld [tilespmem:s19+$0x100];
	_ =	sdelay $0x1  }
.Ltmp0:
0x2b: {  	(pc) =	sbr.rel @p0 .LBB2_2-.Ltmp0, $3  }
0x2c: {  	_ =	sdelay $0x1  }
0x2d: {  	s17 =	sadd.s32 $0x10, s17;
	v0 =	vshra.s32 v0, $0x3  }
0x2e: {  	s19 =	sand.u32 $0xF0, s18;
	s18 =	sadd.s32 $0x10, s18;
	[tilespmem:s17+$0x0] =	vst v0  }
0x2f: {  	v0 =	vld [tilespmem:s19+$0x100];
	_ =	sdelay $0x4  }
0x30: {  	s17 =	sadd.s32 $0x10, s17;
	v0 =	vshra.s32 v0, $0x3  }
0x31: {  	[tilespmem:s17+$0x0] =	vst v0  }
0x32: {  	[tilespmem:s11], [sflag:$0x1] =	stream.indirect.gather [hbm4b:s3+s9], $0x80, s10, s9, $0xb8;
	[tilespmem:$0x10400] =	vst v63  }
0x33: {  	_ = 	snop  }
0x34: {  	[tilespmem:s13], [sflag:$0x2] =	stream.indirect.gather [hbm4b:s3+s9], $0x80, s12, s9, $0xb8;
	[tilespmem:$0x10400] =	vst v63  }
0x35: {  	_ =	swait.ge [sflag:s14], $0x8000  }
0x36: {  	[sflag:s14] =	ssyncset.done $0x0  }
0x37: {  	[sflag:s14] =	ssyncadd.s32 $0xFFFF8000  }
0x38: {  	[hbm4b:s5+s2] =	stream.linear.scatter [tilespmem:s11], [sflag:$0x3], $0x8000, $0x38;
	[tilespmem:$0x10400] =	vst v63  }
0x39: {  	_ =	swait.ge [sflag:s8], $0x8000  }
0x3a: {  	[sflag:s8] =	ssyncset.done $0x0  }
0x3b: {  	[sflag:s8] =	ssyncadd.s32 $0xFFFF8000  }
0x3c: {  	s16 =	sadd.s32 $0x1, s16;
	_ =	swait.ge [sflag:s15], $0x8000  }
0x3d: {  	p0 =	sne.s32 s16, s7;
	[sflag:s15] =	ssyncset.done $0x0  }
.Ltmp1:
0x3e: {  	[sflag:s15] =	ssyncadd.s32 $0xFFFF8000;
	(pc) =	sbr.rel @p0 .LBB2_1-.Ltmp1, $4  }
0x3f: {  	[hbm4b:s6+s2] =	stream.linear.scatter [tilespmem:s13], [sflag:$0x3], $0x8000, $0x38;
	[tilespmem:$0x10400] =	vst v63  }
0x40: {  	_ =	swait.ge [sflag:s8], $0x8000  }
0x41: {  	[sflag:s8] =	ssyncset.done $0x0  }
0x42: {  	[sflag:s8] =	ssyncadd.s32 $0xFFFF8000  }
0x43: {  	_ =	sfence.sel $0x180000  }
0x44: {  	[bflag:$0x0] =	sbarrier.arrive $0xFFFF  }
0x45: {  	p0 =	sne.s32 s1, $0x0;
	_ =	strace $0x9000004A  }
0x46: {  	s0 =	sadd.s32 @!p0 $0x100000, s0;
	[bflag:$0x2] =	sbarrier.arrive $0xFFFF  }
0x47: {  	[sflag:s0] =	ssyncadd.tile.s32 @!p0 $0x1;
	_ =	shalt  }
.Lfunc_end2:
_tile_overlayer_lowered:
.L_overlay_start_2:
0x48: {  	(tag) =	ssettag $0x2  }
0x49: {  	s0 =	rddreg [dreg:$0x0];
	s2 =	stileid.u32  }
0x4a: {  	s1 =	rddreg [dreg:$0x1];
	p0 =	sne.s32 s2, $0x0  }
0x4b: {  	s3 =	rddreg [dreg:$0x2];
	[bflag:$0x3] =	sbarrier.arrive $0xFFFF;
	s2 =	simm.s32 @!p0 $0x1C03  }
0x4c: {  	[timem:s3], [sflag:s2] =	dma.local @!p0 [hbm:s0], s1  }
0x4d: {  	s0 =	simm.s32 @!p0 $0x3  }
0x4e: {  	_ =	swait.ge @!p0 [sflag:s0], s1  }
0x4f: {  	s1 =	ssub.s32 @!p0 $0x0, s1;
	[sflag:s0] =	ssyncset.done @!p0 $0x0  }
0x50: {  	[sflag:s0] =	ssyncadd.s32 @!p0 s1  }
0x51: {  	[bflag:$0x3] =	sbarrier.arrive $0xFFFF  }
0x52: {  	_ =	shalt  }

</sc_bundles>
